<compile_context>
chip_gen: v7x
topology: tpu7x:2x2x1
jax: 0.10.2.dev20260603
libtpu: 0.0.44.dev20260713+nightly
codegen_flags: <defaults>
</compile_context>

<pallas_src>
import functools

import jax
import jax.numpy as jnp
from jax import lax
from jax.experimental import pallas as pl
from jax.experimental.pallas import tpu as pltpu
from jax.experimental.pallas import tpu_sc as plsc

N_LATENT = 32
BATCH = 16384
LANES = 16
NUM_CORES = 2
NUM_SUBCORES = 16
NW = NUM_CORES * NUM_SUBCORES
B_PER_W = BATCH // NW
IDX_CHUNK = 128
N_CHUNKS = B_PER_W // IDX_CHUNK
E = 8
N_PHASE = B_PER_W // E
NG = N_LATENT // 8


def _mf_kernel(u_hbm, i_hbm, upT_hbm, iqT_hbm, ub_hbm, ib_hbm, mu_hbm,
               out_hbm,
               u_idx, i_idx, tb, ub_v, ib_v, mu_v, out_v, bsem, gsem):
    wid = lax.axis_index("s") * NUM_CORES + lax.axis_index("c")
    base = wid * B_PER_W

    for j in range(N_CHUNKS):
        pltpu.sync_copy(u_hbm.at[pl.ds(base + j * IDX_CHUNK, IDX_CHUNK)],
                        u_idx.at[pl.ds(j * IDX_CHUNK, IDX_CHUNK)])
        pltpu.sync_copy(i_hbm.at[pl.ds(base + j * IDX_CHUNK, IDX_CHUNK)],
                        i_idx.at[pl.ds(j * IDX_CHUNK, IDX_CHUNK)])
    pltpu.sync_copy(mu_hbm, mu_v)

    bias_copies = []
    for j in range(N_CHUNKS):
        sl = pl.ds(j * IDX_CHUNK, IDX_CHUNK)
        bias_copies.append(pltpu.make_async_copy(ub_hbm.at[u_idx.at[sl]],
                                                 ub_v.at[sl], bsem))
        bias_copies.append(pltpu.make_async_copy(ib_hbm.at[i_idx.at[sl]],
                                                 ib_v.at[sl], bsem))
    for c in bias_copies:
        c.start()
    for c in bias_copies:
        c.wait()

    mu_vec = mu_v[...]
    lane = lax.iota(jnp.int32, LANES)
    rows_lo = lane
    rows_hi = lane + LANES
    SET = E * N_LATENT
    QOFF = 2 * SET

    def fire_p(ph, setoff):
        uvec = u_idx[pl.ds(ph * E, LANES)]
        ublk = (uvec >> 7) << 7
        for e in range(E):
            cu = pl.multiple_of(ublk[e], 128)
            pltpu.make_async_copy(
                upT_hbm.at[:, pl.ds(cu, 128)],
                tb.at[pl.ds(setoff + e * N_LATENT, N_LATENT), :],
                gsem).start()

    fire_p(0, 0)

    def phase_body(phase, acc):
        uvec = u_idx[pl.ds(phase * E, LANES)]
        ivec = i_idx[pl.ds(phase * E, LANES)]
        ulan = uvec & 127
        ilan = ivec & 127
        iblk = (ivec >> 7) << 7
        setoff = (phase & 1) * SET

        for e in range(E):
            ci = pl.multiple_of(iblk[e], 128)
            pltpu.make_async_copy(
                iqT_hbm.at[:, pl.ds(ci, 128)],
                tb.at[pl.ds(QOFF + e * N_LATENT, N_LATENT), :],
                bsem).start()

        @pl.when(phase < N_PHASE - 1)
        def _():
            fire_p(phase + 1, (1 - (phase & 1)) * SET)

        for e in range(E):
            pltpu.make_async_copy(
                upT_hbm.at[:, pl.ds(0, 128)],
                tb.at[pl.ds(setoff + e * N_LATENT, N_LATENT), :],
                gsem).wait()
            pltpu.make_async_copy(
                iqT_hbm.at[:, pl.ds(0, 128)],
                tb.at[pl.ds(QOFF + e * N_LATENT, N_LATENT), :],
                bsem).wait()

        half = 8 * (phase & 1)
        for e in range(E):
            lu = jnp.full((LANES,), 1, jnp.int32) * ulan[e]
            li = jnp.full((LANES,), 1, jnp.int32) * ilan[e]
            prow = setoff + e * N_LATENT
            qrow = QOFF + e * N_LATENT
            p0 = plsc.load_gather(tb, [prow + rows_lo, lu])
            p1 = plsc.load_gather(tb, [prow + rows_hi, lu])
            q0 = plsc.load_gather(tb, [qrow + rows_lo, li])
            q1 = plsc.load_gather(tb, [qrow + rows_hi, li])
            s = jnp.sum(p0 * q0 + p1 * q1)
            acc = jnp.where(lane == half + e, acc + s, acc)

        @pl.when((phase & 1) == 1)
        def _():
            sl16 = pl.ds((phase >> 1) * LANES, LANES)
            out_v[sl16] = acc + mu_vec + ub_v[sl16] + ib_v[sl16]

        return jnp.where((phase & 1) == 1, jnp.zeros_like(acc), acc)

    lax.fori_loop(0, N_PHASE, phase_body, jnp.zeros((LANES,), jnp.float32))

    pltpu.sync_copy(out_v, out_hbm.at[pl.ds(base, B_PER_W)])


@jax.jit
def kernel(u, i, user_p, item_q, user_b, item_b, mu):
    mesh = plsc.VectorSubcoreMesh(core_axis_name="c", subcore_axis_name="s")
    run = functools.partial(
        pl.kernel,
        out_type=jax.ShapeDtypeStruct((BATCH,), jnp.float32),
        mesh=mesh,
        scratch_types=[
            pltpu.VMEM((B_PER_W + LANES,), jnp.int32),
            pltpu.VMEM((B_PER_W + LANES,), jnp.int32),
            pltpu.VMEM((3 * E * N_LATENT, 128), jnp.float32),
            pltpu.VMEM((B_PER_W,), jnp.float32),
            pltpu.VMEM((B_PER_W,), jnp.float32),
            pltpu.VMEM((LANES,), jnp.float32),
            pltpu.VMEM((B_PER_W,), jnp.float32),
            pltpu.SemaphoreType.DMA,
            pltpu.SemaphoreType.DMA,
        ],
        compiler_params=pltpu.CompilerParams(needs_layout_passes=False,
                                             use_tc_tiling_on_sc=True),
    )(_mf_kernel)
    mu16 = jnp.broadcast_to(mu.astype(jnp.float32), (LANES,))
    return run(u.astype(jnp.int32), i.astype(jnp.int32),
               user_p.T, item_q.T,
               user_b.reshape(-1), item_b.reshape(-1), mu16)

# --- scband reference (transcript-rebuilt; emitter-appended) ---
"""Pipeline reference for scband-mfmodel-9380208574575 (READ-ONLY COPY).

The authoritative reference and input builder live on the scoring server;
editing this copy changes nothing except your own understanding.
"""

import jax, jax.numpy as jnp
import numpy as np

N_USERS = 1000000
N_ITEMS = 1000000
N_LATENT = 32
BATCH = 16384

def setup_inputs(seed: int = 0) -> dict:
    key = jax.random.key(seed)
    k_u, k_i, k_up, k_iq, k_ub, k_ib = jax.random.split(key, 6)
    u = jax.random.randint(k_u, (BATCH,), 0, N_USERS, dtype=jnp.int64 if jax.config.jax_enable_x64 else jnp.int32)
    i = jax.random.randint(k_i, (BATCH,), 0, N_ITEMS, dtype=jnp.int64 if jax.config.jax_enable_x64 else jnp.int32)
    user_p = jax.random.normal(k_up, (N_USERS, N_LATENT), dtype=jnp.float32)
    item_q = jax.random.normal(k_iq, (N_ITEMS, N_LATENT), dtype=jnp.float32)
    user_b = jax.random.normal(k_ub, (N_USERS, 1), dtype=jnp.float32)
    item_b = jax.random.normal(k_ib, (N_ITEMS, 1), dtype=jnp.float32)
    mu = jnp.zeros((1,), dtype=jnp.float32)
    return {"u": u, "i": i, "user_p": user_p, "item_q": item_q, "user_b": user_b, "item_b": item_b, "mu": mu}

def reference(u, i, user_p, item_q, user_b, item_b, mu):
    ub = jnp.take(user_b, u, axis=0).squeeze(-1)
    ib = jnp.take(item_b, i, axis=0).squeeze(-1)
    p = jnp.take(user_p, u, axis=0)
    q = jnp.take(item_q, i, axis=0)
    pred = mu + ub + ib + (p * q).sum(axis=1)
    return pred

if __name__ == "__main__":
    import jax
    _d = setup_inputs()
    print(jax.jit(kernel)(*tuple(_d.values())))

</pallas_src>

<mosaic_0001>
#map = affine_map<(d0, d1) -> (0)>
#map1 = affine_map<(d0, d1) -> (0, 0)>
module attributes {stable_mosaic.version = 14 : i64} {
  func.func @_mf_kernel(%arg0: i32, %arg1: i32, %arg2: memref<16384xi32, #tpu.memory_space<hbm>>, %arg3: memref<16384xi32, #tpu.memory_space<hbm>>, %arg4: memref<32x1000000xf32, #tpu.memory_space<hbm>>, %arg5: memref<32x1000000xf32, #tpu.memory_space<hbm>>, %arg6: memref<1000000xf32, #tpu.memory_space<hbm>>, %arg7: memref<1000000xf32, #tpu.memory_space<hbm>>, %arg8: memref<16xf32, #tpu.memory_space<hbm>>, %arg9: memref<16384xf32, #tpu.memory_space<hbm>>, %arg10: memref<528xi32, #tpu.memory_space<vmem>>, %arg11: memref<528xi32, #tpu.memory_space<vmem>>, %arg12: memref<768x128xf32, #tpu.memory_space<vmem>>, %arg13: memref<512xf32, #tpu.memory_space<vmem>>, %arg14: memref<512xf32, #tpu.memory_space<vmem>>, %arg15: memref<16xf32, #tpu.memory_space<vmem>>, %arg16: memref<512xf32, #tpu.memory_space<vmem>>, %arg17: memref<!tpu.dma_semaphore, #tpu.memory_space<semaphore_mem>>, %arg18: memref<!tpu.dma_semaphore, #tpu.memory_space<semaphore_mem>>) attributes {dimension_semantics = [#tpu.dimension_semantics<core_parallel>, #tpu.dimension_semantics<subcore_parallel>], iteration_bounds = array<i64: 2, 16>, scalar_prefetch = 0 : i64, scratch_operands = 9 : i64, tpu.core_type = #tpu.core_type<sc_vector_subcore>, window_params = [{transform_indices = #map}, {transform_indices = #map}, {transform_indices = #map1}, {transform_indices = #map1}, {transform_indices = #map}, {transform_indices = #map}, {transform_indices = #map}, {transform_indices = #map}]} {
    %mul3A = arith.constant 2 : i32
    %mul3A_0 = arith.muli %arg1, %mul3A : i32
    %add3A = arith.addi %mul3A_0, %arg0 : i32
    %mul3A_1 = arith.constant 512 : i32
    %mul3A_2 = arith.muli %add3A, %mul3A_1 : i32
    %add3A_3 = arith.constant 0 : i32
    %add3A_4 = arith.addi %mul3A_2, %add3A_3 : i32
    "tpu.region"() ({
      %run_scoped3A = tpu.sem_alloc : memref<!tpu.dma_semaphore, #tpu.memory_space<semaphore_mem>>
      %dma_start3A_230 = arith.constant 0 : i32
      %dma_start3A_231 = tpu.memref_slice %arg10[%dma_start3A_230] : memref<528xi32, #tpu.memory_space<vmem>> -> memref<128xi32, #tpu.memory_space<vmem>>
      %dma_start3A_232 = tpu.memref_slice %arg2[%add3A_4] : memref<16384xi32, #tpu.memory_space<hbm>> -> memref<128xi32, #tpu.memory_space<hbm>>
      %dma_start3A_233 = arith.constant 0 : i32
      %dma_start3A_234 = tpu.memref_slice %arg10[%dma_start3A_233] : memref<528xi32, #tpu.memory_space<vmem>> -> memref<128xi32, #tpu.memory_space<vmem>>
      %dma_start3A_235 = tpu.memref_slice %arg2[%add3A_4] : memref<16384xi32, #tpu.memory_space<hbm>> -> memref<128xi32, #tpu.memory_space<hbm>>
      tpu.enqueue_dma source(%dma_start3A_235 : memref<128xi32, #tpu.memory_space<hbm>>) target(%dma_start3A_234 : memref<128xi32, #tpu.memory_space<vmem>>) target_semaphore(%run_scoped3A : memref<!tpu.dma_semaphore, #tpu.memory_space<semaphore_mem>>)
      %dma_wait3A_236 = arith.constant 0 : i32
      %dma_wait3A_237 = tpu.memref_slice %arg10[%dma_wait3A_236] : memref<528xi32, #tpu.memory_space<vmem>> -> memref<128xi32, #tpu.memory_space<vmem>>
      %dma_wait3A_238 = tpu.memref_slice %arg2[%add3A_4] : memref<16384xi32, #tpu.memory_space<hbm>> -> memref<128xi32, #tpu.memory_space<hbm>>
      %dma_wait3A_239 = arith.constant 0 : i32
      %dma_wait3A_240 = tpu.memref_slice %arg10[%dma_wait3A_239] : memref<528xi32, #tpu.memory_space<vmem>> -> memref<128xi32, #tpu.memory_space<vmem>>
      %dma_wait3A_241 = tpu.memref_slice %arg2[%add3A_4] : memref<16384xi32, #tpu.memory_space<hbm>> -> memref<128xi32, #tpu.memory_space<hbm>>
      tpu.wait_dma2 semaphore(%run_scoped3A : memref<!tpu.dma_semaphore, #tpu.memory_space<semaphore_mem>>) src(%dma_wait3A_241 : memref<128xi32, #tpu.memory_space<hbm>>) dst(%dma_wait3A_240 : memref<128xi32, #tpu.memory_space<vmem>>)
      tpu.yield
    }) : () -> ()
    %add3A_5 = arith.constant 0 : i32
    %add3A_6 = arith.addi %mul3A_2, %add3A_5 : i32
    "tpu.region"() ({
      %run_scoped3A = tpu.sem_alloc : memref<!tpu.dma_semaphore, #tpu.memory_space<semaphore_mem>>
      %dma_start3A_230 = arith.constant 0 : i32
      %dma_start3A_231 = tpu.memref_slice %arg11[%dma_start3A_230] : memref<528xi32, #tpu.memory_space<vmem>> -> memref<128xi32, #tpu.memory_space<vmem>>
      %dma_start3A_232 = tpu.memref_slice %arg3[%add3A_6] : memref<16384xi32, #tpu.memory_space<hbm>> -> memref<128xi32, #tpu.memory_space<hbm>>
      %dma_start3A_233 = arith.constant 0 : i32
      %dma_start3A_234 = tpu.memref_slice %arg11[%dma_start3A_233] : memref<528xi32, #tpu.memory_space<vmem>> -> memref<128xi32, #tpu.memory_space<vmem>>
      %dma_start3A_235 = tpu.memref_slice %arg3[%add3A_6] : memref<16384xi32, #tpu.memory_space<hbm>> -> memref<128xi32, #tpu.memory_space<hbm>>
      tpu.enqueue_dma source(%dma_start3A_235 : memref<128xi32, #tpu.memory_space<hbm>>) target(%dma_start3A_234 : memref<128xi32, #tpu.memory_space<vmem>>) target_semaphore(%run_scoped3A : memref<!tpu.dma_semaphore, #tpu.memory_space<semaphore_mem>>)
      %dma_wait3A_236 = arith.constant 0 : i32
      %dma_wait3A_237 = tpu.memref_slice %arg11[%dma_wait3A_236] : memref<528xi32, #tpu.memory_space<vmem>> -> memref<128xi32, #tpu.memory_space<vmem>>
      %dma_wait3A_238 = tpu.memref_slice %arg3[%add3A_6] : memref<16384xi32, #tpu.memory_space<hbm>> -> memref<128xi32, #tpu.memory_space<hbm>>
      %dma_wait3A_239 = arith.constant 0 : i32
      %dma_wait3A_240 = tpu.memref_slice %arg11[%dma_wait3A_239] : memref<528xi32, #tpu.memory_space<vmem>> -> memref<128xi32, #tpu.memory_space<vmem>>
      %dma_wait3A_241 = tpu.memref_slice %arg3[%add3A_6] : memref<16384xi32, #tpu.memory_space<hbm>> -> memref<128xi32, #tpu.memory_space<hbm>>
      tpu.wait_dma2 semaphore(%run_scoped3A : memref<!tpu.dma_semaphore, #tpu.memory_space<semaphore_mem>>) src(%dma_wait3A_241 : memref<128xi32, #tpu.memory_space<hbm>>) dst(%dma_wait3A_240 : memref<128xi32, #tpu.memory_space<vmem>>)
      tpu.yield
    }) : () -> ()
    %add3A_7 = arith.constant 128 : i32
    %add3A_8 = arith.addi %mul3A_2, %add3A_7 : i32
    "tpu.region"() ({
      %run_scoped3A = tpu.sem_alloc : memref<!tpu.dma_semaphore, #tpu.memory_space<semaphore_mem>>
      %dma_start3A_230 = arith.constant 128 : i32
      %dma_start3A_231 = tpu.memref_slice %arg10[%dma_start3A_230] : memref<528xi32, #tpu.memory_space<vmem>> -> memref<128xi32, #tpu.memory_space<vmem>>
      %dma_start3A_232 = tpu.memref_slice %arg2[%add3A_8] : memref<16384xi32, #tpu.memory_space<hbm>> -> memref<128xi32, #tpu.memory_space<hbm>>
      %dma_start3A_233 = arith.constant 128 : i32
      %dma_start3A_234 = tpu.memref_slice %arg10[%dma_start3A_233] : memref<528xi32, #tpu.memory_space<vmem>> -> memref<128xi32, #tpu.memory_space<vmem>>
      %dma_start3A_235 = tpu.memref_slice %arg2[%add3A_8] : memref<16384xi32, #tpu.memory_space<hbm>> -> memref<128xi32, #tpu.memory_space<hbm>>
      tpu.enqueue_dma source(%dma_start3A_235 : memref<128xi32, #tpu.memory_space<hbm>>) target(%dma_start3A_234 : memref<128xi32, #tpu.memory_space<vmem>>) target_semaphore(%run_scoped3A : memref<!tpu.dma_semaphore, #tpu.memory_space<semaphore_mem>>)
      %dma_wait3A_236 = arith.constant 128 : i32
      %dma_wait3A_237 = tpu.memref_slice %arg10[%dma_wait3A_236] : memref<528xi32, #tpu.memory_space<vmem>> -> memref<128xi32, #tpu.memory_space<vmem>>
      %dma_wait3A_238 = tpu.memref_slice %arg2[%add3A_8] : memref<16384xi32, #tpu.memory_space<hbm>> -> memref<128xi32, #tpu.memory_space<hbm>>
      %dma_wait3A_239 = arith.constant 128 : i32
      %dma_wait3A_240 = tpu.memref_slice %arg10[%dma_wait3A_239] : memref<528xi32, #tpu.memory_space<vmem>> -> memref<128xi32, #tpu.memory_space<vmem>>
      %dma_wait3A_241 = tpu.memref_slice %arg2[%add3A_8] : memref<16384xi32, #tpu.memory_space<hbm>> -> memref<128xi32, #tpu.memory_space<hbm>>
      tpu.wait_dma2 semaphore(%run_scoped3A : memref<!tpu.dma_semaphore, #tpu.memory_space<semaphore_mem>>) src(%dma_wait3A_241 : memref<128xi32, #tpu.memory_space<hbm>>) dst(%dma_wait3A_240 : memref<128xi32, #tpu.memory_space<vmem>>)
      tpu.yield
    }) : () -> ()
    %add3A_9 = arith.constant 128 : i32
    %add3A_10 = arith.addi %mul3A_2, %add3A_9 : i32
    "tpu.region"() ({
      %run_scoped3A = tpu.sem_alloc : memref<!tpu.dma_semaphore, #tpu.memory_space<semaphore_mem>>
      %dma_start3A_230 = arith.constant 128 : i32
      %dma_start3A_231 = tpu.memref_slice %arg11[%dma_start3A_230] : memref<528xi32, #tpu.memory_space<vmem>> -> memref<128xi32, #tpu.memory_space<vmem>>
      %dma_start3A_232 = tpu.memref_slice %arg3[%add3A_10] : memref<16384xi32, #tpu.memory_space<hbm>> -> memref<128xi32, #tpu.memory_space<hbm>>
      %dma_start3A_233 = arith.constant 128 : i32
      %dma_start3A_234 = tpu.memref_slice %arg11[%dma_start3A_233] : memref<528xi32, #tpu.memory_space<vmem>> -> memref<128xi32, #tpu.memory_space<vmem>>
      %dma_start3A_235 = tpu.memref_slice %arg3[%add3A_10] : memref<16384xi32, #tpu.memory_space<hbm>> -> memref<128xi32, #tpu.memory_space<hbm>>
      tpu.enqueue_dma source(%dma_start3A_235 : memref<128xi32, #tpu.memory_space<hbm>>) target(%dma_start3A_234 : memref<128xi32, #tpu.memory_space<vmem>>) target_semaphore(%run_scoped3A : memref<!tpu.dma_semaphore, #tpu.memory_space<semaphore_mem>>)
      %dma_wait3A_236 = arith.constant 128 : i32
      %dma_wait3A_237 = tpu.memref_slice %arg11[%dma_wait3A_236] : memref<528xi32, #tpu.memory_space<vmem>> -> memref<128xi32, #tpu.memory_space<vmem>>
      %dma_wait3A_238 = tpu.memref_slice %arg3[%add3A_10] : memref<16384xi32, #tpu.memory_space<hbm>> -> memref<128xi32, #tpu.memory_space<hbm>>
      %dma_wait3A_239 = arith.constant 128 : i32
      %dma_wait3A_240 = tpu.memref_slice %arg11[%dma_wait3A_239] : memref<528xi32, #tpu.memory_space<vmem>> -> memref<128xi32, #tpu.memory_space<vmem>>
      %dma_wait3A_241 = tpu.memref_slice %arg3[%add3A_10] : memref<16384xi32, #tpu.memory_space<hbm>> -> memref<128xi32, #tpu.memory_space<hbm>>
      tpu.wait_dma2 semaphore(%run_scoped3A : memref<!tpu.dma_semaphore, #tpu.memory_space<semaphore_mem>>) src(%dma_wait3A_241 : memref<128xi32, #tpu.memory_space<hbm>>) dst(%dma_wait3A_240 : memref<128xi32, #tpu.memory_space<vmem>>)
      tpu.yield
    }) : () -> ()
    %add3A_11 = arith.constant 256 : i32
    %add3A_12 = arith.addi %mul3A_2, %add3A_11 : i32
    "tpu.region"() ({
      %run_scoped3A = tpu.sem_alloc : memref<!tpu.dma_semaphore, #tpu.memory_space<semaphore_mem>>
      %dma_start3A_230 = arith.constant 256 : i32
      %dma_start3A_231 = tpu.memref_slice %arg10[%dma_start3A_230] : memref<528xi32, #tpu.memory_space<vmem>> -> memref<128xi32, #tpu.memory_space<vmem>>
      %dma_start3A_232 = tpu.memref_slice %arg2[%add3A_12] : memref<16384xi32, #tpu.memory_space<hbm>> -> memref<128xi32, #tpu.memory_space<hbm>>
      %dma_start3A_233 = arith.constant 256 : i32
      %dma_start3A_234 = tpu.memref_slice %arg10[%dma_start3A_233] : memref<528xi32, #tpu.memory_space<vmem>> -> memref<128xi32, #tpu.memory_space<vmem>>
      %dma_start3A_235 = tpu.memref_slice %arg2[%add3A_12] : memref<16384xi32, #tpu.memory_space<hbm>> -> memref<128xi32, #tpu.memory_space<hbm>>
      tpu.enqueue_dma source(%dma_start3A_235 : memref<128xi32, #tpu.memory_space<hbm>>) target(%dma_start3A_234 : memref<128xi32, #tpu.memory_space<vmem>>) target_semaphore(%run_scoped3A : memref<!tpu.dma_semaphore, #tpu.memory_space<semaphore_mem>>)
      %dma_wait3A_236 = arith.constant 256 : i32
      %dma_wait3A_237 = tpu.memref_slice %arg10[%dma_wait3A_236] : memref<528xi32, #tpu.memory_space<vmem>> -> memref<128xi32, #tpu.memory_space<vmem>>
      %dma_wait3A_238 = tpu.memref_slice %arg2[%add3A_12] : memref<16384xi32, #tpu.memory_space<hbm>> -> memref<128xi32, #tpu.memory_space<hbm>>
      %dma_wait3A_239 = arith.constant 256 : i32
      %dma_wait3A_240 = tpu.memref_slice %arg10[%dma_wait3A_239] : memref<528xi32, #tpu.memory_space<vmem>> -> memref<128xi32, #tpu.memory_space<vmem>>
      %dma_wait3A_241 = tpu.memref_slice %arg2[%add3A_12] : memref<16384xi32, #tpu.memory_space<hbm>> -> memref<128xi32, #tpu.memory_space<hbm>>
      tpu.wait_dma2 semaphore(%run_scoped3A : memref<!tpu.dma_semaphore, #tpu.memory_space<semaphore_mem>>) src(%dma_wait3A_241 : memref<128xi32, #tpu.memory_space<hbm>>) dst(%dma_wait3A_240 : memref<128xi32, #tpu.memory_space<vmem>>)
      tpu.yield
    }) : () -> ()
    %add3A_13 = arith.constant 256 : i32
    %add3A_14 = arith.addi %mul3A_2, %add3A_13 : i32
    "tpu.region"() ({
      %run_scoped3A = tpu.sem_alloc : memref<!tpu.dma_semaphore, #tpu.memory_space<semaphore_mem>>
      %dma_start3A_230 = arith.constant 256 : i32
      %dma_start3A_231 = tpu.memref_slice %arg11[%dma_start3A_230] : memref<528xi32, #tpu.memory_space<vmem>> -> memref<128xi32, #tpu.memory_space<vmem>>
      %dma_start3A_232 = tpu.memref_slice %arg3[%add3A_14] : memref<16384xi32, #tpu.memory_space<hbm>> -> memref<128xi32, #tpu.memory_space<hbm>>
      %dma_start3A_233 = arith.constant 256 : i32
      %dma_start3A_234 = tpu.memref_slice %arg11[%dma_start3A_233] : memref<528xi32, #tpu.memory_space<vmem>> -> memref<128xi32, #tpu.memory_space<vmem>>
      %dma_start3A_235 = tpu.memref_slice %arg3[%add3A_14] : memref<16384xi32, #tpu.memory_space<hbm>> -> memref<128xi32, #tpu.memory_space<hbm>>
      tpu.enqueue_dma source(%dma_start3A_235 : memref<128xi32, #tpu.memory_space<hbm>>) target(%dma_start3A_234 : memref<128xi32, #tpu.memory_space<vmem>>) target_semaphore(%run_scoped3A : memref<!tpu.dma_semaphore, #tpu.memory_space<semaphore_mem>>)
      %dma_wait3A_236 = arith.constant 256 : i32
      %dma_wait3A_237 = tpu.memref_slice %arg11[%dma_wait3A_236] : memref<528xi32, #tpu.memory_space<vmem>> -> memref<128xi32, #tpu.memory_space<vmem>>
      %dma_wait3A_238 = tpu.memref_slice %arg3[%add3A_14] : memref<16384xi32, #tpu.memory_space<hbm>> -> memref<128xi32, #tpu.memory_space<hbm>>
      %dma_wait3A_239 = arith.constant 256 : i32
      %dma_wait3A_240 = tpu.memref_slice %arg11[%dma_wait3A_239] : memref<528xi32, #tpu.memory_space<vmem>> -> memref<128xi32, #tpu.memory_space<vmem>>
      %dma_wait3A_241 = tpu.memref_slice %arg3[%add3A_14] : memref<16384xi32, #tpu.memory_space<hbm>> -> memref<128xi32, #tpu.memory_space<hbm>>
      tpu.wait_dma2 semaphore(%run_scoped3A : memref<!tpu.dma_semaphore, #tpu.memory_space<semaphore_mem>>) src(%dma_wait3A_241 : memref<128xi32, #tpu.memory_space<hbm>>) dst(%dma_wait3A_240 : memref<128xi32, #tpu.memory_space<vmem>>)
      tpu.yield
    }) : () -> ()
    %add3A_15 = arith.constant 384 : i32
    %add3A_16 = arith.addi %mul3A_2, %add3A_15 : i32
    "tpu.region"() ({
      %run_scoped3A = tpu.sem_alloc : memref<!tpu.dma_semaphore, #tpu.memory_space<semaphore_mem>>
      %dma_start3A_230 = arith.constant 384 : i32
      %dma_start3A_231 = tpu.memref_slice %arg10[%dma_start3A_230] : memref<528xi32, #tpu.memory_space<vmem>> -> memref<128xi32, #tpu.memory_space<vmem>>
      %dma_start3A_232 = tpu.memref_slice %arg2[%add3A_16] : memref<16384xi32, #tpu.memory_space<hbm>> -> memref<128xi32, #tpu.memory_space<hbm>>
      %dma_start3A_233 = arith.constant 384 : i32
      %dma_start3A_234 = tpu.memref_slice %arg10[%dma_start3A_233] : memref<528xi32, #tpu.memory_space<vmem>> -> memref<128xi32, #tpu.memory_space<vmem>>
      %dma_start3A_235 = tpu.memref_slice %arg2[%add3A_16] : memref<16384xi32, #tpu.memory_space<hbm>> -> memref<128xi32, #tpu.memory_space<hbm>>
      tpu.enqueue_dma source(%dma_start3A_235 : memref<128xi32, #tpu.memory_space<hbm>>) target(%dma_start3A_234 : memref<128xi32, #tpu.memory_space<vmem>>) target_semaphore(%run_scoped3A : memref<!tpu.dma_semaphore, #tpu.memory_space<semaphore_mem>>)
      %dma_wait3A_236 = arith.constant 384 : i32
      %dma_wait3A_237 = tpu.memref_slice %arg10[%dma_wait3A_236] : memref<528xi32, #tpu.memory_space<vmem>> -> memref<128xi32, #tpu.memory_space<vmem>>
      %dma_wait3A_238 = tpu.memref_slice %arg2[%add3A_16] : memref<16384xi32, #tpu.memory_space<hbm>> -> memref<128xi32, #tpu.memory_space<hbm>>
      %dma_wait3A_239 = arith.constant 384 : i32
      %dma_wait3A_240 = tpu.memref_slice %arg10[%dma_wait3A_239] : memref<528xi32, #tpu.memory_space<vmem>> -> memref<128xi32, #tpu.memory_space<vmem>>
      %dma_wait3A_241 = tpu.memref_slice %arg2[%add3A_16] : memref<16384xi32, #tpu.memory_space<hbm>> -> memref<128xi32, #tpu.memory_space<hbm>>
      tpu.wait_dma2 semaphore(%run_scoped3A : memref<!tpu.dma_semaphore, #tpu.memory_space<semaphore_mem>>) src(%dma_wait3A_241 : memref<128xi32, #tpu.memory_space<hbm>>) dst(%dma_wait3A_240 : memref<128xi32, #tpu.memory_space<vmem>>)
      tpu.yield
    }) : () -> ()
    %add3A_17 = arith.constant 384 : i32
    %add3A_18 = arith.addi %mul3A_2, %add3A_17 : i32
    "tpu.region"() ({
      %run_scoped3A = tpu.sem_alloc : memref<!tpu.dma_semaphore, #tpu.memory_space<semaphore_mem>>
      %dma_start3A_230 = arith.constant 384 : i32
      %dma_start3A_231 = tpu.memref_slice %arg11[%dma_start3A_230] : memref<528xi32, #tpu.memory_space<vmem>> -> memref<128xi32, #tpu.memory_space<vmem>>
      %dma_start3A_232 = tpu.memref_slice %arg3[%add3A_18] : memref<16384xi32, #tpu.memory_space<hbm>> -> memref<128xi32, #tpu.memory_space<hbm>>
      %dma_start3A_233 = arith.constant 384 : i32
      %dma_start3A_234 = tpu.memref_slice %arg11[%dma_start3A_233] : memref<528xi32, #tpu.memory_space<vmem>> -> memref<128xi32, #tpu.memory_space<vmem>>
      %dma_start3A_235 = tpu.memref_slice %arg3[%add3A_18] : memref<16384xi32, #tpu.memory_space<hbm>> -> memref<128xi32, #tpu.memory_space<hbm>>
      tpu.enqueue_dma source(%dma_start3A_235 : memref<128xi32, #tpu.memory_space<hbm>>) target(%dma_start3A_234 : memref<128xi32, #tpu.memory_space<vmem>>) target_semaphore(%run_scoped3A : memref<!tpu.dma_semaphore, #tpu.memory_space<semaphore_mem>>)
      %dma_wait3A_236 = arith.constant 384 : i32
      %dma_wait3A_237 = tpu.memref_slice %arg11[%dma_wait3A_236] : memref<528xi32, #tpu.memory_space<vmem>> -> memref<128xi32, #tpu.memory_space<vmem>>
      %dma_wait3A_238 = tpu.memref_slice %arg3[%add3A_18] : memref<16384xi32, #tpu.memory_space<hbm>> -> memref<128xi32, #tpu.memory_space<hbm>>
      %dma_wait3A_239 = arith.constant 384 : i32
      %dma_wait3A_240 = tpu.memref_slice %arg11[%dma_wait3A_239] : memref<528xi32, #tpu.memory_space<vmem>> -> memref<128xi32, #tpu.memory_space<vmem>>
      %dma_wait3A_241 = tpu.memref_slice %arg3[%add3A_18] : memref<16384xi32, #tpu.memory_space<hbm>> -> memref<128xi32, #tpu.memory_space<hbm>>
      tpu.wait_dma2 semaphore(%run_scoped3A : memref<!tpu.dma_semaphore, #tpu.memory_space<semaphore_mem>>) src(%dma_wait3A_241 : memref<128xi32, #tpu.memory_space<hbm>>) dst(%dma_wait3A_240 : memref<128xi32, #tpu.memory_space<vmem>>)
      tpu.yield
    }) : () -> ()
    "tpu.region"() ({
      %run_scoped3A = tpu.sem_alloc : memref<!tpu.dma_semaphore, #tpu.memory_space<semaphore_mem>>
      tpu.enqueue_dma source(%arg8 : memref<16xf32, #tpu.memory_space<hbm>>) target(%arg15 : memref<16xf32, #tpu.memory_space<vmem>>) target_semaphore(%run_scoped3A : memref<!tpu.dma_semaphore, #tpu.memory_space<semaphore_mem>>)
      tpu.wait_dma2 semaphore(%run_scoped3A : memref<!tpu.dma_semaphore, #tpu.memory_space<semaphore_mem>>) src(%arg8 : memref<16xf32, #tpu.memory_space<hbm>>) dst(%arg15 : memref<16xf32, #tpu.memory_space<vmem>>)
      tpu.yield
    }) : () -> ()
    %dma_start3A = arith.constant 0 : i32
    %dma_start3A_19 = tpu.memref_slice %arg13[%dma_start3A] : memref<512xf32, #tpu.memory_space<vmem>> -> memref<128xf32, #tpu.memory_space<vmem>>
    %dma_start3A_20 = arith.constant 0 : i32
    %dma_start3A_21 = tpu.memref_slice %arg10[%dma_start3A_20] : memref<528xi32, #tpu.memory_space<vmem>> -> memref<128xi32, #tpu.memory_space<vmem>>
    %dma_start3A_22 = arith.constant 0 : i32
    %dma_start3A_23 = tpu.memref_slice %arg6[%dma_start3A_22] : memref<1000000xf32, #tpu.memory_space<hbm>> -> memref<1000000xf32, #tpu.memory_space<hbm>>
    tpu.enqueue_indirect_dma source(%dma_start3A_23 : memref<1000000xf32, #tpu.memory_space<hbm>>) target(%dma_start3A_19 : memref<128xf32, #tpu.memory_space<vmem>>) offsets(%dma_start3A_21 : memref<128xi32, #tpu.memory_space<vmem>>) semaphore(%arg17 : memref<!tpu.dma_semaphore, #tpu.memory_space<semaphore_mem>>)
    %dma_start3A_24 = arith.constant 0 : i32
    %dma_start3A_25 = tpu.memref_slice %arg14[%dma_start3A_24] : memref<512xf32, #tpu.memory_space<vmem>> -> memref<128xf32, #tpu.memory_space<vmem>>
    %dma_start3A_26 = arith.constant 0 : i32
    %dma_start3A_27 = tpu.memref_slice %arg11[%dma_start3A_26] : memref<528xi32, #tpu.memory_space<vmem>> -> memref<128xi32, #tpu.memory_space<vmem>>
    %dma_start3A_28 = arith.constant 0 : i32
    %dma_start3A_29 = tpu.memref_slice %arg7[%dma_start3A_28] : memref<1000000xf32, #tpu.memory_space<hbm>> -> memref<1000000xf32, #tpu.memory_space<hbm>>
    tpu.enqueue_indirect_dma source(%dma_start3A_29 : memref<1000000xf32, #tpu.memory_space<hbm>>) target(%dma_start3A_25 : memref<128xf32, #tpu.memory_space<vmem>>) offsets(%dma_start3A_27 : memref<128xi32, #tpu.memory_space<vmem>>) semaphore(%arg17 : memref<!tpu.dma_semaphore, #tpu.memory_space<semaphore_mem>>)
    %dma_start3A_30 = arith.constant 128 : i32
    %dma_start3A_31 = tpu.memref_slice %arg13[%dma_start3A_30] : memref<512xf32, #tpu.memory_space<vmem>> -> memref<128xf32, #tpu.memory_space<vmem>>
    %dma_start3A_32 = arith.constant 128 : i32
    %dma_start3A_33 = tpu.memref_slice %arg10[%dma_start3A_32] : memref<528xi32, #tpu.memory_space<vmem>> -> memref<128xi32, #tpu.memory_space<vmem>>
    %dma_start3A_34 = arith.constant 0 : i32
    %dma_start3A_35 = tpu.memref_slice %arg6[%dma_start3A_34] : memref<1000000xf32, #tpu.memory_space<hbm>> -> memref<1000000xf32, #tpu.memory_space<hbm>>
    tpu.enqueue_indirect_dma source(%dma_start3A_35 : memref<1000000xf32, #tpu.memory_space<hbm>>) target(%dma_start3A_31 : memref<128xf32, #tpu.memory_space<vmem>>) offsets(%dma_start3A_33 : memref<128xi32, #tpu.memory_space<vmem>>) semaphore(%arg17 : memref<!tpu.dma_semaphore, #tpu.memory_space<semaphore_mem>>)
    %dma_start3A_36 = arith.constant 128 : i32
    %dma_start3A_37 = tpu.memref_slice %arg14[%dma_start3A_36] : memref<512xf32, #tpu.memory_space<vmem>> -> memref<128xf32, #tpu.memory_space<vmem>>
    %dma_start3A_38 = arith.constant 128 : i32
    %dma_start3A_39 = tpu.memref_slice %arg11[%dma_start3A_38] : memref<528xi32, #tpu.memory_space<vmem>> -> memref<128xi32, #tpu.memory_space<vmem>>
    %dma_start3A_40 = arith.constant 0 : i32
    %dma_start3A_41 = tpu.memref_slice %arg7[%dma_start3A_40] : memref<1000000xf32, #tpu.memory_space<hbm>> -> memref<1000000xf32, #tpu.memory_space<hbm>>
    tpu.enqueue_indirect_dma source(%dma_start3A_41 : memref<1000000xf32, #tpu.memory_space<hbm>>) target(%dma_start3A_37 : memref<128xf32, #tpu.memory_space<vmem>>) offsets(%dma_start3A_39 : memref<128xi32, #tpu.memory_space<vmem>>) semaphore(%arg17 : memref<!tpu.dma_semaphore, #tpu.memory_space<semaphore_mem>>)
    %dma_start3A_42 = arith.constant 256 : i32
    %dma_start3A_43 = tpu.memref_slice %arg13[%dma_start3A_42] : memref<512xf32, #tpu.memory_space<vmem>> -> memref<128xf32, #tpu.memory_space<vmem>>
    %dma_start3A_44 = arith.constant 256 : i32
    %dma_start3A_45 = tpu.memref_slice %arg10[%dma_start3A_44] : memref<528xi32, #tpu.memory_space<vmem>> -> memref<128xi32, #tpu.memory_space<vmem>>
    %dma_start3A_46 = arith.constant 0 : i32
    %dma_start3A_47 = tpu.memref_slice %arg6[%dma_start3A_46] : memref<1000000xf32, #tpu.memory_space<hbm>> -> memref<1000000xf32, #tpu.memory_space<hbm>>
    tpu.enqueue_indirect_dma source(%dma_start3A_47 : memref<1000000xf32, #tpu.memory_space<hbm>>) target(%dma_start3A_43 : memref<128xf32, #tpu.memory_space<vmem>>) offsets(%dma_start3A_45 : memref<128xi32, #tpu.memory_space<vmem>>) semaphore(%arg17 : memref<!tpu.dma_semaphore, #tpu.memory_space<semaphore_mem>>)
    %dma_start3A_48 = arith.constant 256 : i32
    %dma_start3A_49 = tpu.memref_slice %arg14[%dma_start3A_48] : memref<512xf32, #tpu.memory_space<vmem>> -> memref<128xf32, #tpu.memory_space<vmem>>
    %dma_start3A_50 = arith.constant 256 : i32
    %dma_start3A_51 = tpu.memref_slice %arg11[%dma_start3A_50] : memref<528xi32, #tpu.memory_space<vmem>> -> memref<128xi32, #tpu.memory_space<vmem>>
    %dma_start3A_52 = arith.constant 0 : i32
    %dma_start3A_53 = tpu.memref_slice %arg7[%dma_start3A_52] : memref<1000000xf32, #tpu.memory_space<hbm>> -> memref<1000000xf32, #tpu.memory_space<hbm>>
    tpu.enqueue_indirect_dma source(%dma_start3A_53 : memref<1000000xf32, #tpu.memory_space<hbm>>) target(%dma_start3A_49 : memref<128xf32, #tpu.memory_space<vmem>>) offsets(%dma_start3A_51 : memref<128xi32, #tpu.memory_space<vmem>>) semaphore(%arg17 : memref<!tpu.dma_semaphore, #tpu.memory_space<semaphore_mem>>)
    %dma_start3A_54 = arith.constant 384 : i32
    %dma_start3A_55 = tpu.memref_slice %arg13[%dma_start3A_54] : memref<512xf32, #tpu.memory_space<vmem>> -> memref<128xf32, #tpu.memory_space<vmem>>
    %dma_start3A_56 = arith.constant 384 : i32
    %dma_start3A_57 = tpu.memref_slice %arg10[%dma_start3A_56] : memref<528xi32, #tpu.memory_space<vmem>> -> memref<128xi32, #tpu.memory_space<vmem>>
    %dma_start3A_58 = arith.constant 0 : i32
    %dma_start3A_59 = tpu.memref_slice %arg6[%dma_start3A_58] : memref<1000000xf32, #tpu.memory_space<hbm>> -> memref<1000000xf32, #tpu.memory_space<hbm>>
    tpu.enqueue_indirect_dma source(%dma_start3A_59 : memref<1000000xf32, #tpu.memory_space<hbm>>) target(%dma_start3A_55 : memref<128xf32, #tpu.memory_space<vmem>>) offsets(%dma_start3A_57 : memref<128xi32, #tpu.memory_space<vmem>>) semaphore(%arg17 : memref<!tpu.dma_semaphore, #tpu.memory_space<semaphore_mem>>)
    %dma_start3A_60 = arith.constant 384 : i32
    %dma_start3A_61 = tpu.memref_slice %arg14[%dma_start3A_60] : memref<512xf32, #tpu.memory_space<vmem>> -> memref<128xf32, #tpu.memory_space<vmem>>
    %dma_start3A_62 = arith.constant 384 : i32
    %dma_start3A_63 = tpu.memref_slice %arg11[%dma_start3A_62] : memref<528xi32, #tpu.memory_space<vmem>> -> memref<128xi32, #tpu.memory_space<vmem>>
    %dma_start3A_64 = arith.constant 0 : i32
    %dma_start3A_65 = tpu.memref_slice %arg7[%dma_start3A_64] : memref<1000000xf32, #tpu.memory_space<hbm>> -> memref<1000000xf32, #tpu.memory_space<hbm>>
    tpu.enqueue_indirect_dma source(%dma_start3A_65 : memref<1000000xf32, #tpu.memory_space<hbm>>) target(%dma_start3A_61 : memref<128xf32, #tpu.memory_space<vmem>>) offsets(%dma_start3A_63 : memref<128xi32, #tpu.memory_space<vmem>>) semaphore(%arg17 : memref<!tpu.dma_semaphore, #tpu.memory_space<semaphore_mem>>)
    %dma_wait3A = arith.constant 0 : i32
    %dma_wait3A_66 = tpu.memref_slice %arg13[%dma_wait3A] : memref<512xf32, #tpu.memory_space<vmem>> -> memref<128xf32, #tpu.memory_space<vmem>>
    %dma_wait3A_67 = arith.constant 0 : i32
    %dma_wait3A_68 = tpu.memref_slice %arg10[%dma_wait3A_67] : memref<528xi32, #tpu.memory_space<vmem>> -> memref<128xi32, #tpu.memory_space<vmem>>
    %dma_wait3A_69 = arith.constant 0 : i32
    %dma_wait3A_70 = tpu.memref_slice %arg6[%dma_wait3A_69] : memref<1000000xf32, #tpu.memory_space<hbm>> -> memref<1000000xf32, #tpu.memory_space<hbm>>
    tpu.wait_indirect_dma semaphore(%arg17 : memref<!tpu.dma_semaphore, #tpu.memory_space<semaphore_mem>>) src(%dma_wait3A_70 : memref<1000000xf32, #tpu.memory_space<hbm>>) dst(%dma_wait3A_66 : memref<128xf32, #tpu.memory_space<vmem>>)
    %dma_wait3A_71 = arith.constant 0 : i32
    %dma_wait3A_72 = tpu.memref_slice %arg14[%dma_wait3A_71] : memref<512xf32, #tpu.memory_space<vmem>> -> memref<128xf32, #tpu.memory_space<vmem>>
    %dma_wait3A_73 = arith.constant 0 : i32
    %dma_wait3A_74 = tpu.memref_slice %arg11[%dma_wait3A_73] : memref<528xi32, #tpu.memory_space<vmem>> -> memref<128xi32, #tpu.memory_space<vmem>>
    %dma_wait3A_75 = arith.constant 0 : i32
    %dma_wait3A_76 = tpu.memref_slice %arg7[%dma_wait3A_75] : memref<1000000xf32, #tpu.memory_space<hbm>> -> memref<1000000xf32, #tpu.memory_space<hbm>>
    tpu.wait_indirect_dma semaphore(%arg17 : memref<!tpu.dma_semaphore, #tpu.memory_space<semaphore_mem>>) src(%dma_wait3A_76 : memref<1000000xf32, #tpu.memory_space<hbm>>) dst(%dma_wait3A_72 : memref<128xf32, #tpu.memory_space<vmem>>)
    %dma_wait3A_77 = arith.constant 128 : i32
    %dma_wait3A_78 = tpu.memref_slice %arg13[%dma_wait3A_77] : memref<512xf32, #tpu.memory_space<vmem>> -> memref<128xf32, #tpu.memory_space<vmem>>
    %dma_wait3A_79 = arith.constant 128 : i32
    %dma_wait3A_80 = tpu.memref_slice %arg10[%dma_wait3A_79] : memref<528xi32, #tpu.memory_space<vmem>> -> memref<128xi32, #tpu.memory_space<vmem>>
    %dma_wait3A_81 = arith.constant 0 : i32
    %dma_wait3A_82 = tpu.memref_slice %arg6[%dma_wait3A_81] : memref<1000000xf32, #tpu.memory_space<hbm>> -> memref<1000000xf32, #tpu.memory_space<hbm>>
    tpu.wait_indirect_dma semaphore(%arg17 : memref<!tpu.dma_semaphore, #tpu.memory_space<semaphore_mem>>) src(%dma_wait3A_82 : memref<1000000xf32, #tpu.memory_space<hbm>>) dst(%dma_wait3A_78 : memref<128xf32, #tpu.memory_space<vmem>>)
    %dma_wait3A_83 = arith.constant 128 : i32
    %dma_wait3A_84 = tpu.memref_slice %arg14[%dma_wait3A_83] : memref<512xf32, #tpu.memory_space<vmem>> -> memref<128xf32, #tpu.memory_space<vmem>>
    %dma_wait3A_85 = arith.constant 128 : i32
    %dma_wait3A_86 = tpu.memref_slice %arg11[%dma_wait3A_85] : memref<528xi32, #tpu.memory_space<vmem>> -> memref<128xi32, #tpu.memory_space<vmem>>
    %dma_wait3A_87 = arith.constant 0 : i32
    %dma_wait3A_88 = tpu.memref_slice %arg7[%dma_wait3A_87] : memref<1000000xf32, #tpu.memory_space<hbm>> -> memref<1000000xf32, #tpu.memory_space<hbm>>
    tpu.wait_indirect_dma semaphore(%arg17 : memref<!tpu.dma_semaphore, #tpu.memory_space<semaphore_mem>>) src(%dma_wait3A_88 : memref<1000000xf32, #tpu.memory_space<hbm>>) dst(%dma_wait3A_84 : memref<128xf32, #tpu.memory_space<vmem>>)
    %dma_wait3A_89 = arith.constant 256 : i32
    %dma_wait3A_90 = tpu.memref_slice %arg13[%dma_wait3A_89] : memref<512xf32, #tpu.memory_space<vmem>> -> memref<128xf32, #tpu.memory_space<vmem>>
    %dma_wait3A_91 = arith.constant 256 : i32
    %dma_wait3A_92 = tpu.memref_slice %arg10[%dma_wait3A_91] : memref<528xi32, #tpu.memory_space<vmem>> -> memref<128xi32, #tpu.memory_space<vmem>>
    %dma_wait3A_93 = arith.constant 0 : i32
    %dma_wait3A_94 = tpu.memref_slice %arg6[%dma_wait3A_93] : memref<1000000xf32, #tpu.memory_space<hbm>> -> memref<1000000xf32, #tpu.memory_space<hbm>>
    tpu.wait_indirect_dma semaphore(%arg17 : memref<!tpu.dma_semaphore, #tpu.memory_space<semaphore_mem>>) src(%dma_wait3A_94 : memref<1000000xf32, #tpu.memory_space<hbm>>) dst(%dma_wait3A_90 : memref<128xf32, #tpu.memory_space<vmem>>)
    %dma_wait3A_95 = arith.constant 256 : i32
    %dma_wait3A_96 = tpu.memref_slice %arg14[%dma_wait3A_95] : memref<512xf32, #tpu.memory_space<vmem>> -> memref<128xf32, #tpu.memory_space<vmem>>
    %dma_wait3A_97 = arith.constant 256 : i32
    %dma_wait3A_98 = tpu.memref_slice %arg11[%dma_wait3A_97] : memref<528xi32, #tpu.memory_space<vmem>> -> memref<128xi32, #tpu.memory_space<vmem>>
    %dma_wait3A_99 = arith.constant 0 : i32
    %dma_wait3A_100 = tpu.memref_slice %arg7[%dma_wait3A_99] : memref<1000000xf32, #tpu.memory_space<hbm>> -> memref<1000000xf32, #tpu.memory_space<hbm>>
    tpu.wait_indirect_dma semaphore(%arg17 : memref<!tpu.dma_semaphore, #tpu.memory_space<semaphore_mem>>) src(%dma_wait3A_100 : memref<1000000xf32, #tpu.memory_space<hbm>>) dst(%dma_wait3A_96 : memref<128xf32, #tpu.memory_space<vmem>>)
    %dma_wait3A_101 = arith.constant 384 : i32
    %dma_wait3A_102 = tpu.memref_slice %arg13[%dma_wait3A_101] : memref<512xf32, #tpu.memory_space<vmem>> -> memref<128xf32, #tpu.memory_space<vmem>>
    %dma_wait3A_103 = arith.constant 384 : i32
    %dma_wait3A_104 = tpu.memref_slice %arg10[%dma_wait3A_103] : memref<528xi32, #tpu.memory_space<vmem>> -> memref<128xi32, #tpu.memory_space<vmem>>
    %dma_wait3A_105 = arith.constant 0 : i32
    %dma_wait3A_106 = tpu.memref_slice %arg6[%dma_wait3A_105] : memref<1000000xf32, #tpu.memory_space<hbm>> -> memref<1000000xf32, #tpu.memory_space<hbm>>
    tpu.wait_indirect_dma semaphore(%arg17 : memref<!tpu.dma_semaphore, #tpu.memory_space<semaphore_mem>>) src(%dma_wait3A_106 : memref<1000000xf32, #tpu.memory_space<hbm>>) dst(%dma_wait3A_102 : memref<128xf32, #tpu.memory_space<vmem>>)
    %dma_wait3A_107 = arith.constant 384 : i32
    %dma_wait3A_108 = tpu.memref_slice %arg14[%dma_wait3A_107] : memref<512xf32, #tpu.memory_space<vmem>> -> memref<128xf32, #tpu.memory_space<vmem>>
    %dma_wait3A_109 = arith.constant 384 : i32
    %dma_wait3A_110 = tpu.memref_slice %arg11[%dma_wait3A_109] : memref<528xi32, #tpu.memory_space<vmem>> -> memref<128xi32, #tpu.memory_space<vmem>>
    %dma_wait3A_111 = arith.constant 0 : i32
    %dma_wait3A_112 = tpu.memref_slice %arg7[%dma_wait3A_111] : memref<1000000xf32, #tpu.memory_space<hbm>> -> memref<1000000xf32, #tpu.memory_space<hbm>>
    tpu.wait_indirect_dma semaphore(%arg17 : memref<!tpu.dma_semaphore, #tpu.memory_space<semaphore_mem>>) src(%dma_wait3A_112 : memref<1000000xf32, #tpu.memory_space<hbm>>) dst(%dma_wait3A_108 : memref<128xf32, #tpu.memory_space<vmem>>)
    %get3A = arith.constant 0 : index
    %get3A_113 = tpu.vector_load %arg15[%get3A] {strides = array<i32>} : memref<16xf32, #tpu.memory_space<vmem>>, vector<16xf32>,
    %iota3A = tpu.iota {dimensions = array<i32: 0>} : vector<16xi32>
    %add3A_114 = arith.constant 16 : i32
    %add3A_115 = vector.broadcast %add3A_114 : i32 to vector<16xi32>
    %add3A_116 = arith.addi %iota3A, %add3A_115 : vector<16xi32>
    %get3A_117 = arith.constant 0 : index
    %get3A_118 = tpu.vector_load %arg10[%get3A_117] {strides = array<i32>} : memref<528xi32, #tpu.memory_space<vmem>>, vector<16xi32>,
    %shift_right_arithmetic3A = arith.constant 7 : i32
    %shift_right_arithmetic3A_119 = vector.broadcast %shift_right_arithmetic3A : i32 to vector<16xi32>
    %shift_right_arithmetic3A_120 = arith.shrsi %get3A_118, %shift_right_arithmetic3A_119 : vector<16xi32>
    %shift_left3A = arith.constant 7 : i32
    %shift_left3A_121 = vector.broadcast %shift_left3A : i32 to vector<16xi32>
    %shift_left3A_122 = arith.shli %shift_right_arithmetic3A_120, %shift_left3A_121 : vector<16xi32>
    %slice3A = vector.extract_strided_slice %shift_left3A_122 {offsets = [0], sizes = [1], strides = [1]} : vector<16xi32> to vector<1xi32>
    %squeeze3A = vector.extract %slice3A[0] : i32 from vector<1xi32>
    %multiple_of3A = tpu.assume_multiple %squeeze3A, 128 : i32
    %dma_start3A_123 = arith.constant 0 : i32
    %dma_start3A_124 = arith.constant 0 : i32
    %dma_start3A_125 = tpu.memref_slice %arg12[%dma_start3A_123, %dma_start3A_124] : memref<768x128xf32, #tpu.memory_space<vmem>> -> memref<32x128xf32, #tpu.memory_space<vmem>>
    %dma_start3A_126 = arith.constant 0 : i32
    %dma_start3A_127 = tpu.memref_slice %arg4[%dma_start3A_126, %multiple_of3A] : memref<32x1000000xf32, #tpu.memory_space<hbm>> -> memref<32x128xf32, #tpu.memory_space<hbm>>
    %dma_start3A_128 = arith.constant 0 : i32
    %dma_start3A_129 = arith.constant 0 : i32
    %dma_start3A_130 = tpu.memref_slice %arg12[%dma_start3A_128, %dma_start3A_129] : memref<768x128xf32, #tpu.memory_space<vmem>> -> memref<32x128xf32, #tpu.memory_space<vmem>>
    %dma_start3A_131 = arith.constant 0 : i32
    %dma_start3A_132 = tpu.memref_slice %arg4[%dma_start3A_131, %multiple_of3A] : memref<32x1000000xf32, #tpu.memory_space<hbm>> -> memref<32x128xf32, #tpu.memory_space<hbm>>
    tpu.enqueue_dma source(%dma_start3A_132 : memref<32x128xf32, #tpu.memory_space<hbm>>) target(%dma_start3A_130 : memref<32x128xf32, #tpu.memory_space<vmem>>) target_semaphore(%arg18 : memref<!tpu.dma_semaphore, #tpu.memory_space<semaphore_mem>>)
    %slice3A_133 = vector.extract_strided_slice %shift_left3A_122 {offsets = [1], sizes = [1], strides = [1]} : vector<16xi32> to vector<1xi32>
    %squeeze3A_134 = vector.extract %slice3A_133[0] : i32 from vector<1xi32>
    %multiple_of3A_135 = tpu.assume_multiple %squeeze3A_134, 128 : i32
    %dma_start3A_136 = arith.constant 32 : i32
    %dma_start3A_137 = arith.constant 0 : i32
    %dma_start3A_138 = tpu.memref_slice %arg12[%dma_start3A_136, %dma_start3A_137] : memref<768x128xf32, #tpu.memory_space<vmem>> -> memref<32x128xf32, #tpu.memory_space<vmem>>
    %dma_start3A_139 = arith.constant 0 : i32
    %dma_start3A_140 = tpu.memref_slice %arg4[%dma_start3A_139, %multiple_of3A_135] : memref<32x1000000xf32, #tpu.memory_space<hbm>> -> memref<32x128xf32, #tpu.memory_space<hbm>>
    %dma_start3A_141 = arith.constant 32 : i32
    %dma_start3A_142 = arith.constant 0 : i32
    %dma_start3A_143 = tpu.memref_slice %arg12[%dma_start3A_141, %dma_start3A_142] : memref<768x128xf32, #tpu.memory_space<vmem>> -> memref<32x128xf32, #tpu.memory_space<vmem>>
    %dma_start3A_144 = arith.constant 0 : i32
    %dma_start3A_145 = tpu.memref_slice %arg4[%dma_start3A_144, %multiple_of3A_135] : memref<32x1000000xf32, #tpu.memory_space<hbm>> -> memref<32x128xf32, #tpu.memory_space<hbm>>
    tpu.enqueue_dma source(%dma_start3A_145 : memref<32x128xf32, #tpu.memory_space<hbm>>) target(%dma_start3A_143 : memref<32x128xf32, #tpu.memory_space<vmem>>) target_semaphore(%arg18 : memref<!tpu.dma_semaphore, #tpu.memory_space<semaphore_mem>>)
    %slice3A_146 = vector.extract_strided_slice %shift_left3A_122 {offsets = [2], sizes = [1], strides = [1]} : vector<16xi32> to vector<1xi32>
    %squeeze3A_147 = vector.extract %slice3A_146[0] : i32 from vector<1xi32>
    %multiple_of3A_148 = tpu.assume_multiple %squeeze3A_147, 128 : i32
    %dma_start3A_149 = arith.constant 64 : i32
    %dma_start3A_150 = arith.constant 0 : i32
    %dma_start3A_151 = tpu.memref_slice %arg12[%dma_start3A_149, %dma_start3A_150] : memref<768x128xf32, #tpu.memory_space<vmem>> -> memref<32x128xf32, #tpu.memory_space<vmem>>
    %dma_start3A_152 = arith.constant 0 : i32
    %dma_start3A_153 = tpu.memref_slice %arg4[%dma_start3A_152, %multiple_of3A_148] : memref<32x1000000xf32, #tpu.memory_space<hbm>> -> memref<32x128xf32, #tpu.memory_space<hbm>>
    %dma_start3A_154 = arith.constant 64 : i32
    %dma_start3A_155 = arith.constant 0 : i32
    %dma_start3A_156 = tpu.memref_slice %arg12[%dma_start3A_154, %dma_start3A_155] : memref<768x128xf32, #tpu.memory_space<vmem>> -> memref<32x128xf32, #tpu.memory_space<vmem>>
    %dma_start3A_157 = arith.constant 0 : i32
    %dma_start3A_158 = tpu.memref_slice %arg4[%dma_start3A_157, %multiple_of3A_148] : memref<32x1000000xf32, #tpu.memory_space<hbm>> -> memref<32x128xf32, #tpu.memory_space<hbm>>
    tpu.enqueue_dma source(%dma_start3A_158 : memref<32x128xf32, #tpu.memory_space<hbm>>) target(%dma_start3A_156 : memref<32x128xf32, #tpu.memory_space<vmem>>) target_semaphore(%arg18 : memref<!tpu.dma_semaphore, #tpu.memory_space<semaphore_mem>>)
    %slice3A_159 = vector.extract_strided_slice %shift_left3A_122 {offsets = [3], sizes = [1], strides = [1]} : vector<16xi32> to vector<1xi32>
    %squeeze3A_160 = vector.extract %slice3A_159[0] : i32 from vector<1xi32>
    %multiple_of3A_161 = tpu.assume_multiple %squeeze3A_160, 128 : i32
    %dma_start3A_162 = arith.constant 96 : i32
    %dma_start3A_163 = arith.constant 0 : i32
    %dma_start3A_164 = tpu.memref_slice %arg12[%dma_start3A_162, %dma_start3A_163] : memref<768x128xf32, #tpu.memory_space<vmem>> -> memref<32x128xf32, #tpu.memory_space<vmem>>
    %dma_start3A_165 = arith.constant 0 : i32
    %dma_start3A_166 = tpu.memref_slice %arg4[%dma_start3A_165, %multiple_of3A_161] : memref<32x1000000xf32, #tpu.memory_space<hbm>> -> memref<32x128xf32, #tpu.memory_space<hbm>>
    %dma_start3A_167 = arith.constant 96 : i32
    %dma_start3A_168 = arith.constant 0 : i32
    %dma_start3A_169 = tpu.memref_slice %arg12[%dma_start3A_167, %dma_start3A_168] : memref<768x128xf32, #tpu.memory_space<vmem>> -> memref<32x128xf32, #tpu.memory_space<vmem>>
    %dma_start3A_170 = arith.constant 0 : i32
    %dma_start3A_171 = tpu.memref_slice %arg4[%dma_start3A_170, %multiple_of3A_161] : memref<32x1000000xf32, #tpu.memory_space<hbm>> -> memref<32x128xf32, #tpu.memory_space<hbm>>
    tpu.enqueue_dma source(%dma_start3A_171 : memref<32x128xf32, #tpu.memory_space<hbm>>) target(%dma_start3A_169 : memref<32x128xf32, #tpu.memory_space<vmem>>) target_semaphore(%arg18 : memref<!tpu.dma_semaphore, #tpu.memory_space<semaphore_mem>>)
    %slice3A_172 = vector.extract_strided_slice %shift_left3A_122 {offsets = [4], sizes = [1], strides = [1]} : vector<16xi32> to vector<1xi32>
    %squeeze3A_173 = vector.extract %slice3A_172[0] : i32 from vector<1xi32>
    %multiple_of3A_174 = tpu.assume_multiple %squeeze3A_173, 128 : i32
    %dma_start3A_175 = arith.constant 128 : i32
    %dma_start3A_176 = arith.constant 0 : i32
    %dma_start3A_177 = tpu.memref_slice %arg12[%dma_start3A_175, %dma_start3A_176] : memref<768x128xf32, #tpu.memory_space<vmem>> -> memref<32x128xf32, #tpu.memory_space<vmem>>
    %dma_start3A_178 = arith.constant 0 : i32
    %dma_start3A_179 = tpu.memref_slice %arg4[%dma_start3A_178, %multiple_of3A_174] : memref<32x1000000xf32, #tpu.memory_space<hbm>> -> memref<32x128xf32, #tpu.memory_space<hbm>>
    %dma_start3A_180 = arith.constant 128 : i32
    %dma_start3A_181 = arith.constant 0 : i32
    %dma_start3A_182 = tpu.memref_slice %arg12[%dma_start3A_180, %dma_start3A_181] : memref<768x128xf32, #tpu.memory_space<vmem>> -> memref<32x128xf32, #tpu.memory_space<vmem>>
    %dma_start3A_183 = arith.constant 0 : i32
    %dma_start3A_184 = tpu.memref_slice %arg4[%dma_start3A_183, %multiple_of3A_174] : memref<32x1000000xf32, #tpu.memory_space<hbm>> -> memref<32x128xf32, #tpu.memory_space<hbm>>
    tpu.enqueue_dma source(%dma_start3A_184 : memref<32x128xf32, #tpu.memory_space<hbm>>) target(%dma_start3A_182 : memref<32x128xf32, #tpu.memory_space<vmem>>) target_semaphore(%arg18 : memref<!tpu.dma_semaphore, #tpu.memory_space<semaphore_mem>>)
    %slice3A_185 = vector.extract_strided_slice %shift_left3A_122 {offsets = [5], sizes = [1], strides = [1]} : vector<16xi32> to vector<1xi32>
    %squeeze3A_186 = vector.extract %slice3A_185[0] : i32 from vector<1xi32>
    %multiple_of3A_187 = tpu.assume_multiple %squeeze3A_186, 128 : i32
    %dma_start3A_188 = arith.constant 160 : i32
    %dma_start3A_189 = arith.constant 0 : i32
    %dma_start3A_190 = tpu.memref_slice %arg12[%dma_start3A_188, %dma_start3A_189] : memref<768x128xf32, #tpu.memory_space<vmem>> -> memref<32x128xf32, #tpu.memory_space<vmem>>
    %dma_start3A_191 = arith.constant 0 : i32
    %dma_start3A_192 = tpu.memref_slice %arg4[%dma_start3A_191, %multiple_of3A_187] : memref<32x1000000xf32, #tpu.memory_space<hbm>> -> memref<32x128xf32, #tpu.memory_space<hbm>>
    %dma_start3A_193 = arith.constant 160 : i32
    %dma_start3A_194 = arith.constant 0 : i32
    %dma_start3A_195 = tpu.memref_slice %arg12[%dma_start3A_193, %dma_start3A_194] : memref<768x128xf32, #tpu.memory_space<vmem>> -> memref<32x128xf32, #tpu.memory_space<vmem>>
    %dma_start3A_196 = arith.constant 0 : i32
    %dma_start3A_197 = tpu.memref_slice %arg4[%dma_start3A_196, %multiple_of3A_187] : memref<32x1000000xf32, #tpu.memory_space<hbm>> -> memref<32x128xf32, #tpu.memory_space<hbm>>
    tpu.enqueue_dma source(%dma_start3A_197 : memref<32x128xf32, #tpu.memory_space<hbm>>) target(%dma_start3A_195 : memref<32x128xf32, #tpu.memory_space<vmem>>) target_semaphore(%arg18 : memref<!tpu.dma_semaphore, #tpu.memory_space<semaphore_mem>>)
    %slice3A_198 = vector.extract_strided_slice %shift_left3A_122 {offsets = [6], sizes = [1], strides = [1]} : vector<16xi32> to vector<1xi32>
    %squeeze3A_199 = vector.extract %slice3A_198[0] : i32 from vector<1xi32>
    %multiple_of3A_200 = tpu.assume_multiple %squeeze3A_199, 128 : i32
    %dma_start3A_201 = arith.constant 192 : i32
    %dma_start3A_202 = arith.constant 0 : i32
    %dma_start3A_203 = tpu.memref_slice %arg12[%dma_start3A_201, %dma_start3A_202] : memref<768x128xf32, #tpu.memory_space<vmem>> -> memref<32x128xf32, #tpu.memory_space<vmem>>
    %dma_start3A_204 = arith.constant 0 : i32
    %dma_start3A_205 = tpu.memref_slice %arg4[%dma_start3A_204, %multiple_of3A_200] : memref<32x1000000xf32, #tpu.memory_space<hbm>> -> memref<32x128xf32, #tpu.memory_space<hbm>>
    %dma_start3A_206 = arith.constant 192 : i32
    %dma_start3A_207 = arith.constant 0 : i32
    %dma_start3A_208 = tpu.memref_slice %arg12[%dma_start3A_206, %dma_start3A_207] : memref<768x128xf32, #tpu.memory_space<vmem>> -> memref<32x128xf32, #tpu.memory_space<vmem>>
    %dma_start3A_209 = arith.constant 0 : i32
    %dma_start3A_210 = tpu.memref_slice %arg4[%dma_start3A_209, %multiple_of3A_200] : memref<32x1000000xf32, #tpu.memory_space<hbm>> -> memref<32x128xf32, #tpu.memory_space<hbm>>
    tpu.enqueue_dma source(%dma_start3A_210 : memref<32x128xf32, #tpu.memory_space<hbm>>) target(%dma_start3A_208 : memref<32x128xf32, #tpu.memory_space<vmem>>) target_semaphore(%arg18 : memref<!tpu.dma_semaphore, #tpu.memory_space<semaphore_mem>>)
    %slice3A_211 = vector.extract_strided_slice %shift_left3A_122 {offsets = [7], sizes = [1], strides = [1]} : vector<16xi32> to vector<1xi32>
    %squeeze3A_212 = vector.extract %slice3A_211[0] : i32 from vector<1xi32>
    %multiple_of3A_213 = tpu.assume_multiple %squeeze3A_212, 128 : i32
    %dma_start3A_214 = arith.constant 224 : i32
    %dma_start3A_215 = arith.constant 0 : i32
    %dma_start3A_216 = tpu.memref_slice %arg12[%dma_start3A_214, %dma_start3A_215] : memref<768x128xf32, #tpu.memory_space<vmem>> -> memref<32x128xf32, #tpu.memory_space<vmem>>
    %dma_start3A_217 = arith.constant 0 : i32
    %dma_start3A_218 = tpu.memref_slice %arg4[%dma_start3A_217, %multiple_of3A_213] : memref<32x1000000xf32, #tpu.memory_space<hbm>> -> memref<32x128xf32, #tpu.memory_space<hbm>>
    %dma_start3A_219 = arith.constant 224 : i32
    %dma_start3A_220 = arith.constant 0 : i32
    %dma_start3A_221 = tpu.memref_slice %arg12[%dma_start3A_219, %dma_start3A_220] : memref<768x128xf32, #tpu.memory_space<vmem>> -> memref<32x128xf32, #tpu.memory_space<vmem>>
    %dma_start3A_222 = arith.constant 0 : i32
    %dma_start3A_223 = tpu.memref_slice %arg4[%dma_start3A_222, %multiple_of3A_213] : memref<32x1000000xf32, #tpu.memory_space<hbm>> -> memref<32x128xf32, #tpu.memory_space<hbm>>
    tpu.enqueue_dma source(%dma_start3A_223 : memref<32x128xf32, #tpu.memory_space<hbm>>) target(%dma_start3A_221 : memref<32x128xf32, #tpu.memory_space<vmem>>) target_semaphore(%arg18 : memref<!tpu.dma_semaphore, #tpu.memory_space<semaphore_mem>>)
    %broadcast_in_dim3A = arith.constant 0.000000e+00 : f32
    %broadcast_in_dim3A_224 = vector.broadcast %broadcast_in_dim3A : f32 to vector<16xf32>
    %scan3A = arith.constant 0 : i32
    %scan3A_225 = arith.constant 64 : i32
    %scan3A_226 = arith.addi %scan3A, %scan3A_225 : i32
    %scan3A_227 = arith.constant 1 : i32
    %scan3A_228 = scf.for %scan3A_230 = %scan3A to %scan3A_226 step %scan3A_227 iter_args(%scan3A_231 = %broadcast_in_dim3A_224) -> (vector<16xf32>)  : i32 {
      %mul3A_232 = arith.constant 8 : i32
      %mul3A_233 = arith.muli %scan3A_230, %mul3A_232 : i32
      %get3A_234 = arith.index_cast %mul3A_233 : i32 to index
      %get3A_235 = tpu.vector_load %arg10[%get3A_234] {strides = array<i32>} : memref<528xi32, #tpu.memory_space<vmem>>, vector<16xi32>,
      %mul3A_236 = arith.constant 8 : i32
      %mul3A_237 = arith.muli %scan3A_230, %mul3A_236 : i32
      %get3A_238 = arith.index_cast %mul3A_237 : i32 to index
      %get3A_239 = tpu.vector_load %arg11[%get3A_238] {strides = array<i32>} : memref<528xi32, #tpu.memory_space<vmem>>, vector<16xi32>,
      %and3A = arith.constant 127 : i32
      %and3A_240 = vector.broadcast %and3A : i32 to vector<16xi32>
      %and3A_241 = arith.andi %get3A_235, %and3A_240 : vector<16xi32>
      %and3A_242 = arith.constant 127 : i32
      %and3A_243 = vector.broadcast %and3A_242 : i32 to vector<16xi32>
      %and3A_244 = arith.andi %get3A_239, %and3A_243 : vector<16xi32>
      %shift_right_arithmetic3A_245 = arith.constant 7 : i32
      %shift_right_arithmetic3A_246 = vector.broadcast %shift_right_arithmetic3A_245 : i32 to vector<16xi32>
      %shift_right_arithmetic3A_247 = arith.shrsi %get3A_239, %shift_right_arithmetic3A_246 : vector<16xi32>
      %shift_left3A_248 = arith.constant 7 : i32
      %shift_left3A_249 = vector.broadcast %shift_left3A_248 : i32 to vector<16xi32>
      %shift_left3A_250 = arith.shli %shift_right_arithmetic3A_247, %shift_left3A_249 : vector<16xi32>
      %and3A_251 = arith.constant 1 : i32
      %and3A_252 = arith.andi %scan3A_230, %and3A_251 : i32
      %mul3A_253 = arith.constant 256 : i32
      %mul3A_254 = arith.muli %and3A_252, %mul3A_253 : i32
      %slice3A_255 = vector.extract_strided_slice %shift_left3A_250 {offsets = [0], sizes = [1], strides = [1]} : vector<16xi32> to vector<1xi32>
      %squeeze3A_256 = vector.extract %slice3A_255[0] : i32 from vector<1xi32>
      %multiple_of3A_257 = tpu.assume_multiple %squeeze3A_256, 128 : i32
      %dma_start3A_258 = arith.constant 512 : i32
      %dma_start3A_259 = arith.constant 0 : i32
      %dma_start3A_260 = tpu.memref_slice %arg12[%dma_start3A_258, %dma_start3A_259] : memref<768x128xf32, #tpu.memory_space<vmem>> -> memref<32x128xf32, #tpu.memory_space<vmem>>
      %dma_start3A_261 = arith.constant 0 : i32
      %dma_start3A_262 = tpu.memref_slice %arg5[%dma_start3A_261, %multiple_of3A_257] : memref<32x1000000xf32, #tpu.memory_space<hbm>> -> memref<32x128xf32, #tpu.memory_space<hbm>>
      %dma_start3A_263 = arith.constant 512 : i32
      %dma_start3A_264 = arith.constant 0 : i32
      %dma_start3A_265 = tpu.memref_slice %arg12[%dma_start3A_263, %dma_start3A_264] : memref<768x128xf32, #tpu.memory_space<vmem>> -> memref<32x128xf32, #tpu.memory_space<vmem>>
      %dma_start3A_266 = arith.constant 0 : i32
      %dma_start3A_267 = tpu.memref_slice %arg5[%dma_start3A_266, %multiple_of3A_257] : memref<32x1000000xf32, #tpu.memory_space<hbm>> -> memref<32x128xf32, #tpu.memory_space<hbm>>
      tpu.enqueue_dma source(%dma_start3A_267 : memref<32x128xf32, #tpu.memory_space<hbm>>) target(%dma_start3A_265 : memref<32x128xf32, #tpu.memory_space<vmem>>) target_semaphore(%arg17 : memref<!tpu.dma_semaphore, #tpu.memory_space<semaphore_mem>>)
      %slice3A_268 = vector.extract_strided_slice %shift_left3A_250 {offsets = [1], sizes = [1], strides = [1]} : vector<16xi32> to vector<1xi32>
      %squeeze3A_269 = vector.extract %slice3A_268[0] : i32 from vector<1xi32>
      %multiple_of3A_270 = tpu.assume_multiple %squeeze3A_269, 128 : i32
      %dma_start3A_271 = arith.constant 544 : i32
      %dma_start3A_272 = arith.constant 0 : i32
      %dma_start3A_273 = tpu.memref_slice %arg12[%dma_start3A_271, %dma_start3A_272] : memref<768x128xf32, #tpu.memory_space<vmem>> -> memref<32x128xf32, #tpu.memory_space<vmem>>
      %dma_start3A_274 = arith.constant 0 : i32
      %dma_start3A_275 = tpu.memref_slice %arg5[%dma_start3A_274, %multiple_of3A_270] : memref<32x1000000xf32, #tpu.memory_space<hbm>> -> memref<32x128xf32, #tpu.memory_space<hbm>>
      %dma_start3A_276 = arith.constant 544 : i32
      %dma_start3A_277 = arith.constant 0 : i32
      %dma_start3A_278 = tpu.memref_slice %arg12[%dma_start3A_276, %dma_start3A_277] : memref<768x128xf32, #tpu.memory_space<vmem>> -> memref<32x128xf32, #tpu.memory_space<vmem>>
      %dma_start3A_279 = arith.constant 0 : i32
      %dma_start3A_280 = tpu.memref_slice %arg5[%dma_start3A_279, %multiple_of3A_270] : memref<32x1000000xf32, #tpu.memory_space<hbm>> -> memref<32x128xf32, #tpu.memory_space<hbm>>
      tpu.enqueue_dma source(%dma_start3A_280 : memref<32x128xf32, #tpu.memory_space<hbm>>) target(%dma_start3A_278 : memref<32x128xf32, #tpu.memory_space<vmem>>) target_semaphore(%arg17 : memref<!tpu.dma_semaphore, #tpu.memory_space<semaphore_mem>>)
      %slice3A_281 = vector.extract_strided_slice %shift_left3A_250 {offsets = [2], sizes = [1], strides = [1]} : vector<16xi32> to vector<1xi32>
      %squeeze3A_282 = vector.extract %slice3A_281[0] : i32 from vector<1xi32>
      %multiple_of3A_283 = tpu.assume_multiple %squeeze3A_282, 128 : i32
      %dma_start3A_284 = arith.constant 576 : i32
      %dma_start3A_285 = arith.constant 0 : i32
      %dma_start3A_286 = tpu.memref_slice %arg12[%dma_start3A_284, %dma_start3A_285] : memref<768x128xf32, #tpu.memory_space<vmem>> -> memref<32x128xf32, #tpu.memory_space<vmem>>
      %dma_start3A_287 = arith.constant 0 : i32
      %dma_start3A_288 = tpu.memref_slice %arg5[%dma_start3A_287, %multiple_of3A_283] : memref<32x1000000xf32, #tpu.memory_space<hbm>> -> memref<32x128xf32, #tpu.memory_space<hbm>>
      %dma_start3A_289 = arith.constant 576 : i32
      %dma_start3A_290 = arith.constant 0 : i32
      %dma_start3A_291 = tpu.memref_slice %arg12[%dma_start3A_289, %dma_start3A_290] : memref<768x128xf32, #tpu.memory_space<vmem>> -> memref<32x128xf32, #tpu.memory_space<vmem>>
      %dma_start3A_292 = arith.constant 0 : i32
      %dma_start3A_293 = tpu.memref_slice %arg5[%dma_start3A_292, %multiple_of3A_283] : memref<32x1000000xf32, #tpu.memory_space<hbm>> -> memref<32x128xf32, #tpu.memory_space<hbm>>
      tpu.enqueue_dma source(%dma_start3A_293 : memref<32x128xf32, #tpu.memory_space<hbm>>) target(%dma_start3A_291 : memref<32x128xf32, #tpu.memory_space<vmem>>) target_semaphore(%arg17 : memref<!tpu.dma_semaphore, #tpu.memory_space<semaphore_mem>>)
      %slice3A_294 = vector.extract_strided_slice %shift_left3A_250 {offsets = [3], sizes = [1], strides = [1]} : vector<16xi32> to vector<1xi32>
      %squeeze3A_295 = vector.extract %slice3A_294[0] : i32 from vector<1xi32>
      %multiple_of3A_296 = tpu.assume_multiple %squeeze3A_295, 128 : i32
      %dma_start3A_297 = arith.constant 608 : i32
      %dma_start3A_298 = arith.constant 0 : i32
      %dma_start3A_299 = tpu.memref_slice %arg12[%dma_start3A_297, %dma_start3A_298] : memref<768x128xf32, #tpu.memory_space<vmem>> -> memref<32x128xf32, #tpu.memory_space<vmem>>
      %dma_start3A_300 = arith.constant 0 : i32
      %dma_start3A_301 = tpu.memref_slice %arg5[%dma_start3A_300, %multiple_of3A_296] : memref<32x1000000xf32, #tpu.memory_space<hbm>> -> memref<32x128xf32, #tpu.memory_space<hbm>>
      %dma_start3A_302 = arith.constant 608 : i32
      %dma_start3A_303 = arith.constant 0 : i32
      %dma_start3A_304 = tpu.memref_slice %arg12[%dma_start3A_302, %dma_start3A_303] : memref<768x128xf32, #tpu.memory_space<vmem>> -> memref<32x128xf32, #tpu.memory_space<vmem>>
      %dma_start3A_305 = arith.constant 0 : i32
      %dma_start3A_306 = tpu.memref_slice %arg5[%dma_start3A_305, %multiple_of3A_296] : memref<32x1000000xf32, #tpu.memory_space<hbm>> -> memref<32x128xf32, #tpu.memory_space<hbm>>
      tpu.enqueue_dma source(%dma_start3A_306 : memref<32x128xf32, #tpu.memory_space<hbm>>) target(%dma_start3A_304 : memref<32x128xf32, #tpu.memory_space<vmem>>) target_semaphore(%arg17 : memref<!tpu.dma_semaphore, #tpu.memory_space<semaphore_mem>>)
      %slice3A_307 = vector.extract_strided_slice %shift_left3A_250 {offsets = [4], sizes = [1], strides = [1]} : vector<16xi32> to vector<1xi32>
      %squeeze3A_308 = vector.extract %slice3A_307[0] : i32 from vector<1xi32>
      %multiple_of3A_309 = tpu.assume_multiple %squeeze3A_308, 128 : i32
      %dma_start3A_310 = arith.constant 640 : i32
      %dma_start3A_311 = arith.constant 0 : i32
      %dma_start3A_312 = tpu.memref_slice %arg12[%dma_start3A_310, %dma_start3A_311] : memref<768x128xf32, #tpu.memory_space<vmem>> -> memref<32x128xf32, #tpu.memory_space<vmem>>
      %dma_start3A_313 = arith.constant 0 : i32
      %dma_start3A_314 = tpu.memref_slice %arg5[%dma_start3A_313, %multiple_of3A_309] : memref<32x1000000xf32, #tpu.memory_space<hbm>> -> memref<32x128xf32, #tpu.memory_space<hbm>>
      %dma_start3A_315 = arith.constant 640 : i32
      %dma_start3A_316 = arith.constant 0 : i32
      %dma_start3A_317 = tpu.memref_slice %arg12[%dma_start3A_315, %dma_start3A_316] : memref<768x128xf32, #tpu.memory_space<vmem>> -> memref<32x128xf32, #tpu.memory_space<vmem>>
      %dma_start3A_318 = arith.constant 0 : i32
      %dma_start3A_319 = tpu.memref_slice %arg5[%dma_start3A_318, %multiple_of3A_309] : memref<32x1000000xf32, #tpu.memory_space<hbm>> -> memref<32x128xf32, #tpu.memory_space<hbm>>
      tpu.enqueue_dma source(%dma_start3A_319 : memref<32x128xf32, #tpu.memory_space<hbm>>) target(%dma_start3A_317 : memref<32x128xf32, #tpu.memory_space<vmem>>) target_semaphore(%arg17 : memref<!tpu.dma_semaphore, #tpu.memory_space<semaphore_mem>>)
      %slice3A_320 = vector.extract_strided_slice %shift_left3A_250 {offsets = [5], sizes = [1], strides = [1]} : vector<16xi32> to vector<1xi32>
      %squeeze3A_321 = vector.extract %slice3A_320[0] : i32 from vector<1xi32>
      %multiple_of3A_322 = tpu.assume_multiple %squeeze3A_321, 128 : i32
      %dma_start3A_323 = arith.constant 672 : i32
      %dma_start3A_324 = arith.constant 0 : i32
      %dma_start3A_325 = tpu.memref_slice %arg12[%dma_start3A_323, %dma_start3A_324] : memref<768x128xf32, #tpu.memory_space<vmem>> -> memref<32x128xf32, #tpu.memory_space<vmem>>
      %dma_start3A_326 = arith.constant 0 : i32
      %dma_start3A_327 = tpu.memref_slice %arg5[%dma_start3A_326, %multiple_of3A_322] : memref<32x1000000xf32, #tpu.memory_space<hbm>> -> memref<32x128xf32, #tpu.memory_space<hbm>>
      %dma_start3A_328 = arith.constant 672 : i32
      %dma_start3A_329 = arith.constant 0 : i32
      %dma_start3A_330 = tpu.memref_slice %arg12[%dma_start3A_328, %dma_start3A_329] : memref<768x128xf32, #tpu.memory_space<vmem>> -> memref<32x128xf32, #tpu.memory_space<vmem>>
      %dma_start3A_331 = arith.constant 0 : i32
      %dma_start3A_332 = tpu.memref_slice %arg5[%dma_start3A_331, %multiple_of3A_322] : memref<32x1000000xf32, #tpu.memory_space<hbm>> -> memref<32x128xf32, #tpu.memory_space<hbm>>
      tpu.enqueue_dma source(%dma_start3A_332 : memref<32x128xf32, #tpu.memory_space<hbm>>) target(%dma_start3A_330 : memref<32x128xf32, #tpu.memory_space<vmem>>) target_semaphore(%arg17 : memref<!tpu.dma_semaphore, #tpu.memory_space<semaphore_mem>>)
      %slice3A_333 = vector.extract_strided_slice %shift_left3A_250 {offsets = [6], sizes = [1], strides = [1]} : vector<16xi32> to vector<1xi32>
      %squeeze3A_334 = vector.extract %slice3A_333[0] : i32 from vector<1xi32>
      %multiple_of3A_335 = tpu.assume_multiple %squeeze3A_334, 128 : i32
      %dma_start3A_336 = arith.constant 704 : i32
      %dma_start3A_337 = arith.constant 0 : i32
      %dma_start3A_338 = tpu.memref_slice %arg12[%dma_start3A_336, %dma_start3A_337] : memref<768x128xf32, #tpu.memory_space<vmem>> -> memref<32x128xf32, #tpu.memory_space<vmem>>
      %dma_start3A_339 = arith.constant 0 : i32
      %dma_start3A_340 = tpu.memref_slice %arg5[%dma_start3A_339, %multiple_of3A_335] : memref<32x1000000xf32, #tpu.memory_space<hbm>> -> memref<32x128xf32, #tpu.memory_space<hbm>>
      %dma_start3A_341 = arith.constant 704 : i32
      %dma_start3A_342 = arith.constant 0 : i32
      %dma_start3A_343 = tpu.memref_slice %arg12[%dma_start3A_341, %dma_start3A_342] : memref<768x128xf32, #tpu.memory_space<vmem>> -> memref<32x128xf32, #tpu.memory_space<vmem>>
      %dma_start3A_344 = arith.constant 0 : i32
      %dma_start3A_345 = tpu.memref_slice %arg5[%dma_start3A_344, %multiple_of3A_335] : memref<32x1000000xf32, #tpu.memory_space<hbm>> -> memref<32x128xf32, #tpu.memory_space<hbm>>
      tpu.enqueue_dma source(%dma_start3A_345 : memref<32x128xf32, #tpu.memory_space<hbm>>) target(%dma_start3A_343 : memref<32x128xf32, #tpu.memory_space<vmem>>) target_semaphore(%arg17 : memref<!tpu.dma_semaphore, #tpu.memory_space<semaphore_mem>>)
      %slice3A_346 = vector.extract_strided_slice %shift_left3A_250 {offsets = [7], sizes = [1], strides = [1]} : vector<16xi32> to vector<1xi32>
      %squeeze3A_347 = vector.extract %slice3A_346[0] : i32 from vector<1xi32>
      %multiple_of3A_348 = tpu.assume_multiple %squeeze3A_347, 128 : i32
      %dma_start3A_349 = arith.constant 736 : i32
      %dma_start3A_350 = arith.constant 0 : i32
      %dma_start3A_351 = tpu.memref_slice %arg12[%dma_start3A_349, %dma_start3A_350] : memref<768x128xf32, #tpu.memory_space<vmem>> -> memref<32x128xf32, #tpu.memory_space<vmem>>
      %dma_start3A_352 = arith.constant 0 : i32
      %dma_start3A_353 = tpu.memref_slice %arg5[%dma_start3A_352, %multiple_of3A_348] : memref<32x1000000xf32, #tpu.memory_space<hbm>> -> memref<32x128xf32, #tpu.memory_space<hbm>>
      %dma_start3A_354 = arith.constant 736 : i32
      %dma_start3A_355 = arith.constant 0 : i32
      %dma_start3A_356 = tpu.memref_slice %arg12[%dma_start3A_354, %dma_start3A_355] : memref<768x128xf32, #tpu.memory_space<vmem>> -> memref<32x128xf32, #tpu.memory_space<vmem>>
      %dma_start3A_357 = arith.constant 0 : i32
      %dma_start3A_358 = tpu.memref_slice %arg5[%dma_start3A_357, %multiple_of3A_348] : memref<32x1000000xf32, #tpu.memory_space<hbm>> -> memref<32x128xf32, #tpu.memory_space<hbm>>
      tpu.enqueue_dma source(%dma_start3A_358 : memref<32x128xf32, #tpu.memory_space<hbm>>) target(%dma_start3A_356 : memref<32x128xf32, #tpu.memory_space<vmem>>) target_semaphore(%arg17 : memref<!tpu.dma_semaphore, #tpu.memory_space<semaphore_mem>>)
      %lt3A = arith.constant 63 : i32
      %lt3A_359 = arith.cmpi slt, %scan3A_230, %lt3A : i32
      %convert_element_type3A = arith.extui %lt3A_359 : i1 to i32
      %cond3A = arith.constant 0 : i32
      %cond3A_360 = arith.cmpi ne, %convert_element_type3A, %cond3A : i32
      scf.if %cond3A_360 {
        %add3A_903 = arith.constant 1 : i32
        %add3A_904 = arith.addi %scan3A_230, %add3A_903 : i32
        %and3A_905 = arith.constant 1 : i32
        %and3A_906 = arith.andi %scan3A_230, %and3A_905 : i32
        %sub3A = arith.constant 1 : i32
        %sub3A_907 = arith.subi %sub3A, %and3A_906 : i32
        %mul3A_908 = arith.constant 256 : i32
        %mul3A_909 = arith.muli %sub3A_907, %mul3A_908 : i32
        %mul3A_910 = arith.constant 8 : i32
        %mul3A_911 = arith.muli %add3A_904, %mul3A_910 : i32
        %get3A_912 = arith.index_cast %mul3A_911 : i32 to index
        %get3A_913 = tpu.vector_load %arg10[%get3A_912] {strides = array<i32>} : memref<528xi32, #tpu.memory_space<vmem>>, vector<16xi32>,
        %shift_right_arithmetic3A_914 = arith.constant 7 : i32
        %shift_right_arithmetic3A_915 = vector.broadcast %shift_right_arithmetic3A_914 : i32 to vector<16xi32>
        %shift_right_arithmetic3A_916 = arith.shrsi %get3A_913, %shift_right_arithmetic3A_915 : vector<16xi32>
        %shift_left3A_917 = arith.constant 7 : i32
        %shift_left3A_918 = vector.broadcast %shift_left3A_917 : i32 to vector<16xi32>
        %shift_left3A_919 = arith.shli %shift_right_arithmetic3A_916, %shift_left3A_918 : vector<16xi32>
        %slice3A_920 = vector.extract_strided_slice %shift_left3A_919 {offsets = [0], sizes = [1], strides = [1]} : vector<16xi32> to vector<1xi32>
        %squeeze3A_921 = vector.extract %slice3A_920[0] : i32 from vector<1xi32>
        %multiple_of3A_922 = tpu.assume_multiple %squeeze3A_921, 128 : i32
        %add3A_923 = arith.constant 0 : i32
        %add3A_924 = arith.addi %mul3A_909, %add3A_923 : i32
        %dma_start3A_925 = arith.constant 0 : i32
        %dma_start3A_926 = tpu.memref_slice %arg12[%add3A_924, %dma_start3A_925] : memref<768x128xf32, #tpu.memory_space<vmem>> -> memref<32x128xf32, #tpu.memory_space<vmem>>
        %dma_start3A_927 = arith.constant 0 : i32
        %dma_start3A_928 = tpu.memref_slice %arg4[%dma_start3A_927, %multiple_of3A_922] : memref<32x1000000xf32, #tpu.memory_space<hbm>> -> memref<32x128xf32, #tpu.memory_space<hbm>>
        %dma_start3A_929 = arith.constant 0 : i32
        %dma_start3A_930 = tpu.memref_slice %arg12[%add3A_924, %dma_start3A_929] : memref<768x128xf32, #tpu.memory_space<vmem>> -> memref<32x128xf32, #tpu.memory_space<vmem>>
        %dma_start3A_931 = arith.constant 0 : i32
        %dma_start3A_932 = tpu.memref_slice %arg4[%dma_start3A_931, %multiple_of3A_922] : memref<32x1000000xf32, #tpu.memory_space<hbm>> -> memref<32x128xf32, #tpu.memory_space<hbm>>
        tpu.enqueue_dma source(%dma_start3A_932 : memref<32x128xf32, #tpu.memory_space<hbm>>) target(%dma_start3A_930 : memref<32x128xf32, #tpu.memory_space<vmem>>) target_semaphore(%arg18 : memref<!tpu.dma_semaphore, #tpu.memory_space<semaphore_mem>>)
        %slice3A_933 = vector.extract_strided_slice %shift_left3A_919 {offsets = [1], sizes = [1], strides = [1]} : vector<16xi32> to vector<1xi32>
        %squeeze3A_934 = vector.extract %slice3A_933[0] : i32 from vector<1xi32>
        %multiple_of3A_935 = tpu.assume_multiple %squeeze3A_934, 128 : i32
        %add3A_936 = arith.constant 32 : i32
        %add3A_937 = arith.addi %mul3A_909, %add3A_936 : i32
        %dma_start3A_938 = arith.constant 0 : i32
        %dma_start3A_939 = tpu.memref_slice %arg12[%add3A_937, %dma_start3A_938] : memref<768x128xf32, #tpu.memory_space<vmem>> -> memref<32x128xf32, #tpu.memory_space<vmem>>
        %dma_start3A_940 = arith.constant 0 : i32
        %dma_start3A_941 = tpu.memref_slice %arg4[%dma_start3A_940, %multiple_of3A_935] : memref<32x1000000xf32, #tpu.memory_space<hbm>> -> memref<32x128xf32, #tpu.memory_space<hbm>>
        %dma_start3A_942 = arith.constant 0 : i32
        %dma_start3A_943 = tpu.memref_slice %arg12[%add3A_937, %dma_start3A_942] : memref<768x128xf32, #tpu.memory_space<vmem>> -> memref<32x128xf32, #tpu.memory_space<vmem>>
        %dma_start3A_944 = arith.constant 0 : i32
        %dma_start3A_945 = tpu.memref_slice %arg4[%dma_start3A_944, %multiple_of3A_935] : memref<32x1000000xf32, #tpu.memory_space<hbm>> -> memref<32x128xf32, #tpu.memory_space<hbm>>
        tpu.enqueue_dma source(%dma_start3A_945 : memref<32x128xf32, #tpu.memory_space<hbm>>) target(%dma_start3A_943 : memref<32x128xf32, #tpu.memory_space<vmem>>) target_semaphore(%arg18 : memref<!tpu.dma_semaphore, #tpu.memory_space<semaphore_mem>>)
        %slice3A_946 = vector.extract_strided_slice %shift_left3A_919 {offsets = [2], sizes = [1], strides = [1]} : vector<16xi32> to vector<1xi32>
        %squeeze3A_947 = vector.extract %slice3A_946[0] : i32 from vector<1xi32>
        %multiple_of3A_948 = tpu.assume_multiple %squeeze3A_947, 128 : i32
        %add3A_949 = arith.constant 64 : i32
        %add3A_950 = arith.addi %mul3A_909, %add3A_949 : i32
        %dma_start3A_951 = arith.constant 0 : i32
        %dma_start3A_952 = tpu.memref_slice %arg12[%add3A_950, %dma_start3A_951] : memref<768x128xf32, #tpu.memory_space<vmem>> -> memref<32x128xf32, #tpu.memory_space<vmem>>
        %dma_start3A_953 = arith.constant 0 : i32
        %dma_start3A_954 = tpu.memref_slice %arg4[%dma_start3A_953, %multiple_of3A_948] : memref<32x1000000xf32, #tpu.memory_space<hbm>> -> memref<32x128xf32, #tpu.memory_space<hbm>>
        %dma_start3A_955 = arith.constant 0 : i32
        %dma_start3A_956 = tpu.memref_slice %arg12[%add3A_950, %dma_start3A_955] : memref<768x128xf32, #tpu.memory_space<vmem>> -> memref<32x128xf32, #tpu.memory_space<vmem>>
        %dma_start3A_957 = arith.constant 0 : i32
        %dma_start3A_958 = tpu.memref_slice %arg4[%dma_start3A_957, %multiple_of3A_948] : memref<32x1000000xf32, #tpu.memory_space<hbm>> -> memref<32x128xf32, #tpu.memory_space<hbm>>
        tpu.enqueue_dma source(%dma_start3A_958 : memref<32x128xf32, #tpu.memory_space<hbm>>) target(%dma_start3A_956 : memref<32x128xf32, #tpu.memory_space<vmem>>) target_semaphore(%arg18 : memref<!tpu.dma_semaphore, #tpu.memory_space<semaphore_mem>>)
        %slice3A_959 = vector.extract_strided_slice %shift_left3A_919 {offsets = [3], sizes = [1], strides = [1]} : vector<16xi32> to vector<1xi32>
        %squeeze3A_960 = vector.extract %slice3A_959[0] : i32 from vector<1xi32>
        %multiple_of3A_961 = tpu.assume_multiple %squeeze3A_960, 128 : i32
        %add3A_962 = arith.constant 96 : i32
        %add3A_963 = arith.addi %mul3A_909, %add3A_962 : i32
        %dma_start3A_964 = arith.constant 0 : i32
        %dma_start3A_965 = tpu.memref_slice %arg12[%add3A_963, %dma_start3A_964] : memref<768x128xf32, #tpu.memory_space<vmem>> -> memref<32x128xf32, #tpu.memory_space<vmem>>
        %dma_start3A_966 = arith.constant 0 : i32
        %dma_start3A_967 = tpu.memref_slice %arg4[%dma_start3A_966, %multiple_of3A_961] : memref<32x1000000xf32, #tpu.memory_space<hbm>> -> memref<32x128xf32, #tpu.memory_space<hbm>>
        %dma_start3A_968 = arith.constant 0 : i32
        %dma_start3A_969 = tpu.memref_slice %arg12[%add3A_963, %dma_start3A_968] : memref<768x128xf32, #tpu.memory_space<vmem>> -> memref<32x128xf32, #tpu.memory_space<vmem>>
        %dma_start3A_970 = arith.constant 0 : i32
        %dma_start3A_971 = tpu.memref_slice %arg4[%dma_start3A_970, %multiple_of3A_961] : memref<32x1000000xf32, #tpu.memory_space<hbm>> -> memref<32x128xf32, #tpu.memory_space<hbm>>
        tpu.enqueue_dma source(%dma_start3A_971 : memref<32x128xf32, #tpu.memory_space<hbm>>) target(%dma_start3A_969 : memref<32x128xf32, #tpu.memory_space<vmem>>) target_semaphore(%arg18 : memref<!tpu.dma_semaphore, #tpu.memory_space<semaphore_mem>>)
        %slice3A_972 = vector.extract_strided_slice %shift_left3A_919 {offsets = [4], sizes = [1], strides = [1]} : vector<16xi32> to vector<1xi32>
        %squeeze3A_973 = vector.extract %slice3A_972[0] : i32 from vector<1xi32>
        %multiple_of3A_974 = tpu.assume_multiple %squeeze3A_973, 128 : i32
        %add3A_975 = arith.constant 128 : i32
        %add3A_976 = arith.addi %mul3A_909, %add3A_975 : i32
        %dma_start3A_977 = arith.constant 0 : i32
        %dma_start3A_978 = tpu.memref_slice %arg12[%add3A_976, %dma_start3A_977] : memref<768x128xf32, #tpu.memory_space<vmem>> -> memref<32x128xf32, #tpu.memory_space<vmem>>
        %dma_start3A_979 = arith.constant 0 : i32
        %dma_start3A_980 = tpu.memref_slice %arg4[%dma_start3A_979, %multiple_of3A_974] : memref<32x1000000xf32, #tpu.memory_space<hbm>> -> memref<32x128xf32, #tpu.memory_space<hbm>>
        %dma_start3A_981 = arith.constant 0 : i32
        %dma_start3A_982 = tpu.memref_slice %arg12[%add3A_976, %dma_start3A_981] : memref<768x128xf32, #tpu.memory_space<vmem>> -> memref<32x128xf32, #tpu.memory_space<vmem>>
        %dma_start3A_983 = arith.constant 0 : i32
        %dma_start3A_984 = tpu.memref_slice %arg4[%dma_start3A_983, %multiple_of3A_974] : memref<32x1000000xf32, #tpu.memory_space<hbm>> -> memref<32x128xf32, #tpu.memory_space<hbm>>
        tpu.enqueue_dma source(%dma_start3A_984 : memref<32x128xf32, #tpu.memory_space<hbm>>) target(%dma_start3A_982 : memref<32x128xf32, #tpu.memory_space<vmem>>) target_semaphore(%arg18 : memref<!tpu.dma_semaphore, #tpu.memory_space<semaphore_mem>>)
        %slice3A_985 = vector.extract_strided_slice %shift_left3A_919 {offsets = [5], sizes = [1], strides = [1]} : vector<16xi32> to vector<1xi32>
        %squeeze3A_986 = vector.extract %slice3A_985[0] : i32 from vector<1xi32>
        %multiple_of3A_987 = tpu.assume_multiple %squeeze3A_986, 128 : i32
        %add3A_988 = arith.constant 160 : i32
        %add3A_989 = arith.addi %mul3A_909, %add3A_988 : i32
        %dma_start3A_990 = arith.constant 0 : i32
        %dma_start3A_991 = tpu.memref_slice %arg12[%add3A_989, %dma_start3A_990] : memref<768x128xf32, #tpu.memory_space<vmem>> -> memref<32x128xf32, #tpu.memory_space<vmem>>
        %dma_start3A_992 = arith.constant 0 : i32
        %dma_start3A_993 = tpu.memref_slice %arg4[%dma_start3A_992, %multiple_of3A_987] : memref<32x1000000xf32, #tpu.memory_space<hbm>> -> memref<32x128xf32, #tpu.memory_space<hbm>>
        %dma_start3A_994 = arith.constant 0 : i32
        %dma_start3A_995 = tpu.memref_slice %arg12[%add3A_989, %dma_start3A_994] : memref<768x128xf32, #tpu.memory_space<vmem>> -> memref<32x128xf32, #tpu.memory_space<vmem>>
        %dma_start3A_996 = arith.constant 0 : i32
        %dma_start3A_997 = tpu.memref_slice %arg4[%dma_start3A_996, %multiple_of3A_987] : memref<32x1000000xf32, #tpu.memory_space<hbm>> -> memref<32x128xf32, #tpu.memory_space<hbm>>
        tpu.enqueue_dma source(%dma_start3A_997 : memref<32x128xf32, #tpu.memory_space<hbm>>) target(%dma_start3A_995 : memref<32x128xf32, #tpu.memory_space<vmem>>) target_semaphore(%arg18 : memref<!tpu.dma_semaphore, #tpu.memory_space<semaphore_mem>>)
        %slice3A_998 = vector.extract_strided_slice %shift_left3A_919 {offsets = [6], sizes = [1], strides = [1]} : vector<16xi32> to vector<1xi32>
        %squeeze3A_999 = vector.extract %slice3A_998[0] : i32 from vector<1xi32>
        %multiple_of3A_1000 = tpu.assume_multiple %squeeze3A_999, 128 : i32
        %add3A_1001 = arith.constant 192 : i32
        %add3A_1002 = arith.addi %mul3A_909, %add3A_1001 : i32
        %dma_start3A_1003 = arith.constant 0 : i32
        %dma_start3A_1004 = tpu.memref_slice %arg12[%add3A_1002, %dma_start3A_1003] : memref<768x128xf32, #tpu.memory_space<vmem>> -> memref<32x128xf32, #tpu.memory_space<vmem>>
        %dma_start3A_1005 = arith.constant 0 : i32
        %dma_start3A_1006 = tpu.memref_slice %arg4[%dma_start3A_1005, %multiple_of3A_1000] : memref<32x1000000xf32, #tpu.memory_space<hbm>> -> memref<32x128xf32, #tpu.memory_space<hbm>>
        %dma_start3A_1007 = arith.constant 0 : i32
        %dma_start3A_1008 = tpu.memref_slice %arg12[%add3A_1002, %dma_start3A_1007] : memref<768x128xf32, #tpu.memory_space<vmem>> -> memref<32x128xf32, #tpu.memory_space<vmem>>
        %dma_start3A_1009 = arith.constant 0 : i32
        %dma_start3A_1010 = tpu.memref_slice %arg4[%dma_start3A_1009, %multiple_of3A_1000] : memref<32x1000000xf32, #tpu.memory_space<hbm>> -> memref<32x128xf32, #tpu.memory_space<hbm>>
        tpu.enqueue_dma source(%dma_start3A_1010 : memref<32x128xf32, #tpu.memory_space<hbm>>) target(%dma_start3A_1008 : memref<32x128xf32, #tpu.memory_space<vmem>>) target_semaphore(%arg18 : memref<!tpu.dma_semaphore, #tpu.memory_space<semaphore_mem>>)
        %slice3A_1011 = vector.extract_strided_slice %shift_left3A_919 {offsets = [7], sizes = [1], strides = [1]} : vector<16xi32> to vector<1xi32>
        %squeeze3A_1012 = vector.extract %slice3A_1011[0] : i32 from vector<1xi32>
        %multiple_of3A_1013 = tpu.assume_multiple %squeeze3A_1012, 128 : i32
        %add3A_1014 = arith.constant 224 : i32
        %add3A_1015 = arith.addi %mul3A_909, %add3A_1014 : i32
        %dma_start3A_1016 = arith.constant 0 : i32
        %dma_start3A_1017 = tpu.memref_slice %arg12[%add3A_1015, %dma_start3A_1016] : memref<768x128xf32, #tpu.memory_space<vmem>> -> memref<32x128xf32, #tpu.memory_space<vmem>>
        %dma_start3A_1018 = arith.constant 0 : i32
        %dma_start3A_1019 = tpu.memref_slice %arg4[%dma_start3A_1018, %multiple_of3A_1013] : memref<32x1000000xf32, #tpu.memory_space<hbm>> -> memref<32x128xf32, #tpu.memory_space<hbm>>
        %dma_start3A_1020 = arith.constant 0 : i32
        %dma_start3A_1021 = tpu.memref_slice %arg12[%add3A_1015, %dma_start3A_1020] : memref<768x128xf32, #tpu.memory_space<vmem>> -> memref<32x128xf32, #tpu.memory_space<vmem>>
        %dma_start3A_1022 = arith.constant 0 : i32
        %dma_start3A_1023 = tpu.memref_slice %arg4[%dma_start3A_1022, %multiple_of3A_1013] : memref<32x1000000xf32, #tpu.memory_space<hbm>> -> memref<32x128xf32, #tpu.memory_space<hbm>>
        tpu.enqueue_dma source(%dma_start3A_1023 : memref<32x128xf32, #tpu.memory_space<hbm>>) target(%dma_start3A_1021 : memref<32x128xf32, #tpu.memory_space<vmem>>) target_semaphore(%arg18 : memref<!tpu.dma_semaphore, #tpu.memory_space<semaphore_mem>>)
      } else {
      }
      %add3A_361 = arith.constant 0 : i32
      %add3A_362 = arith.addi %mul3A_254, %add3A_361 : i32
      %dma_wait3A_363 = arith.constant 0 : i32
      %dma_wait3A_364 = tpu.memref_slice %arg12[%add3A_362, %dma_wait3A_363] : memref<768x128xf32, #tpu.memory_space<vmem>> -> memref<32x128xf32, #tpu.memory_space<vmem>>
      %dma_wait3A_365 = arith.constant 0 : i32
      %dma_wait3A_366 = arith.constant 0 : i32
      %dma_wait3A_367 = tpu.memref_slice %arg4[%dma_wait3A_365, %dma_wait3A_366] : memref<32x1000000xf32, #tpu.memory_space<hbm>> -> memref<32x128xf32, #tpu.memory_space<hbm>>
      %dma_wait3A_368 = arith.constant 0 : i32
      %dma_wait3A_369 = tpu.memref_slice %arg12[%add3A_362, %dma_wait3A_368] : memref<768x128xf32, #tpu.memory_space<vmem>> -> memref<32x128xf32, #tpu.memory_space<vmem>>
      %dma_wait3A_370 = arith.constant 0 : i32
      %dma_wait3A_371 = arith.constant 0 : i32
      %dma_wait3A_372 = tpu.memref_slice %arg4[%dma_wait3A_370, %dma_wait3A_371] : memref<32x1000000xf32, #tpu.memory_space<hbm>> -> memref<32x128xf32, #tpu.memory_space<hbm>>
      tpu.wait_dma2 semaphore(%arg18 : memref<!tpu.dma_semaphore, #tpu.memory_space<semaphore_mem>>) src(%dma_wait3A_372 : memref<32x128xf32, #tpu.memory_space<hbm>>) dst(%dma_wait3A_369 : memref<32x128xf32, #tpu.memory_space<vmem>>)
      %dma_wait3A_373 = arith.constant 512 : i32
      %dma_wait3A_374 = arith.constant 0 : i32
      %dma_wait3A_375 = tpu.memref_slice %arg12[%dma_wait3A_373, %dma_wait3A_374] : memref<768x128xf32, #tpu.memory_space<vmem>> -> memref<32x128xf32, #tpu.memory_space<vmem>>
      %dma_wait3A_376 = arith.constant 0 : i32
      %dma_wait3A_377 = arith.constant 0 : i32
      %dma_wait3A_378 = tpu.memref_slice %arg5[%dma_wait3A_376, %dma_wait3A_377] : memref<32x1000000xf32, #tpu.memory_space<hbm>> -> memref<32x128xf32, #tpu.memory_space<hbm>>
      %dma_wait3A_379 = arith.constant 512 : i32
      %dma_wait3A_380 = arith.constant 0 : i32
      %dma_wait3A_381 = tpu.memref_slice %arg12[%dma_wait3A_379, %dma_wait3A_380] : memref<768x128xf32, #tpu.memory_space<vmem>> -> memref<32x128xf32, #tpu.memory_space<vmem>>
      %dma_wait3A_382 = arith.constant 0 : i32
      %dma_wait3A_383 = arith.constant 0 : i32
      %dma_wait3A_384 = tpu.memref_slice %arg5[%dma_wait3A_382, %dma_wait3A_383] : memref<32x1000000xf32, #tpu.memory_space<hbm>> -> memref<32x128xf32, #tpu.memory_space<hbm>>
      tpu.wait_dma2 semaphore(%arg17 : memref<!tpu.dma_semaphore, #tpu.memory_space<semaphore_mem>>) src(%dma_wait3A_384 : memref<32x128xf32, #tpu.memory_space<hbm>>) dst(%dma_wait3A_381 : memref<32x128xf32, #tpu.memory_space<vmem>>)
      %add3A_385 = arith.constant 32 : i32
      %add3A_386 = arith.addi %mul3A_254, %add3A_385 : i32
      %dma_wait3A_387 = arith.constant 0 : i32
      %dma_wait3A_388 = tpu.memref_slice %arg12[%add3A_386, %dma_wait3A_387] : memref<768x128xf32, #tpu.memory_space<vmem>> -> memref<32x128xf32, #tpu.memory_space<vmem>>
      %dma_wait3A_389 = arith.constant 0 : i32
      %dma_wait3A_390 = arith.constant 0 : i32
      %dma_wait3A_391 = tpu.memref_slice %arg4[%dma_wait3A_389, %dma_wait3A_390] : memref<32x1000000xf32, #tpu.memory_space<hbm>> -> memref<32x128xf32, #tpu.memory_space<hbm>>
      %dma_wait3A_392 = arith.constant 0 : i32
      %dma_wait3A_393 = tpu.memref_slice %arg12[%add3A_386, %dma_wait3A_392] : memref<768x128xf32, #tpu.memory_space<vmem>> -> memref<32x128xf32, #tpu.memory_space<vmem>>
      %dma_wait3A_394 = arith.constant 0 : i32
      %dma_wait3A_395 = arith.constant 0 : i32
      %dma_wait3A_396 = tpu.memref_slice %arg4[%dma_wait3A_394, %dma_wait3A_395] : memref<32x1000000xf32, #tpu.memory_space<hbm>> -> memref<32x128xf32, #tpu.memory_space<hbm>>
      tpu.wait_dma2 semaphore(%arg18 : memref<!tpu.dma_semaphore, #tpu.memory_space<semaphore_mem>>) src(%dma_wait3A_396 : memref<32x128xf32, #tpu.memory_space<hbm>>) dst(%dma_wait3A_393 : memref<32x128xf32, #tpu.memory_space<vmem>>)
      %dma_wait3A_397 = arith.constant 544 : i32
      %dma_wait3A_398 = arith.constant 0 : i32
      %dma_wait3A_399 = tpu.memref_slice %arg12[%dma_wait3A_397, %dma_wait3A_398] : memref<768x128xf32, #tpu.memory_space<vmem>> -> memref<32x128xf32, #tpu.memory_space<vmem>>
      %dma_wait3A_400 = arith.constant 0 : i32
      %dma_wait3A_401 = arith.constant 0 : i32
      %dma_wait3A_402 = tpu.memref_slice %arg5[%dma_wait3A_400, %dma_wait3A_401] : memref<32x1000000xf32, #tpu.memory_space<hbm>> -> memref<32x128xf32, #tpu.memory_space<hbm>>
      %dma_wait3A_403 = arith.constant 544 : i32
      %dma_wait3A_404 = arith.constant 0 : i32
      %dma_wait3A_405 = tpu.memref_slice %arg12[%dma_wait3A_403, %dma_wait3A_404] : memref<768x128xf32, #tpu.memory_space<vmem>> -> memref<32x128xf32, #tpu.memory_space<vmem>>
      %dma_wait3A_406 = arith.constant 0 : i32
      %dma_wait3A_407 = arith.constant 0 : i32
      %dma_wait3A_408 = tpu.memref_slice %arg5[%dma_wait3A_406, %dma_wait3A_407] : memref<32x1000000xf32, #tpu.memory_space<hbm>> -> memref<32x128xf32, #tpu.memory_space<hbm>>
      tpu.wait_dma2 semaphore(%arg17 : memref<!tpu.dma_semaphore, #tpu.memory_space<semaphore_mem>>) src(%dma_wait3A_408 : memref<32x128xf32, #tpu.memory_space<hbm>>) dst(%dma_wait3A_405 : memref<32x128xf32, #tpu.memory_space<vmem>>)
      %add3A_409 = arith.constant 64 : i32
      %add3A_410 = arith.addi %mul3A_254, %add3A_409 : i32
      %dma_wait3A_411 = arith.constant 0 : i32
      %dma_wait3A_412 = tpu.memref_slice %arg12[%add3A_410, %dma_wait3A_411] : memref<768x128xf32, #tpu.memory_space<vmem>> -> memref<32x128xf32, #tpu.memory_space<vmem>>
      %dma_wait3A_413 = arith.constant 0 : i32
      %dma_wait3A_414 = arith.constant 0 : i32
      %dma_wait3A_415 = tpu.memref_slice %arg4[%dma_wait3A_413, %dma_wait3A_414] : memref<32x1000000xf32, #tpu.memory_space<hbm>> -> memref<32x128xf32, #tpu.memory_space<hbm>>
      %dma_wait3A_416 = arith.constant 0 : i32
      %dma_wait3A_417 = tpu.memref_slice %arg12[%add3A_410, %dma_wait3A_416] : memref<768x128xf32, #tpu.memory_space<vmem>> -> memref<32x128xf32, #tpu.memory_space<vmem>>
      %dma_wait3A_418 = arith.constant 0 : i32
      %dma_wait3A_419 = arith.constant 0 : i32
      %dma_wait3A_420 = tpu.memref_slice %arg4[%dma_wait3A_418, %dma_wait3A_419] : memref<32x1000000xf32, #tpu.memory_space<hbm>> -> memref<32x128xf32, #tpu.memory_space<hbm>>
      tpu.wait_dma2 semaphore(%arg18 : memref<!tpu.dma_semaphore, #tpu.memory_space<semaphore_mem>>) src(%dma_wait3A_420 : memref<32x128xf32, #tpu.memory_space<hbm>>) dst(%dma_wait3A_417 : memref<32x128xf32, #tpu.memory_space<vmem>>)
      %dma_wait3A_421 = arith.constant 576 : i32
      %dma_wait3A_422 = arith.constant 0 : i32
      %dma_wait3A_423 = tpu.memref_slice %arg12[%dma_wait3A_421, %dma_wait3A_422] : memref<768x128xf32, #tpu.memory_space<vmem>> -> memref<32x128xf32, #tpu.memory_space<vmem>>
      %dma_wait3A_424 = arith.constant 0 : i32
      %dma_wait3A_425 = arith.constant 0 : i32
      %dma_wait3A_426 = tpu.memref_slice %arg5[%dma_wait3A_424, %dma_wait3A_425] : memref<32x1000000xf32, #tpu.memory_space<hbm>> -> memref<32x128xf32, #tpu.memory_space<hbm>>
      %dma_wait3A_427 = arith.constant 576 : i32
      %dma_wait3A_428 = arith.constant 0 : i32
      %dma_wait3A_429 = tpu.memref_slice %arg12[%dma_wait3A_427, %dma_wait3A_428] : memref<768x128xf32, #tpu.memory_space<vmem>> -> memref<32x128xf32, #tpu.memory_space<vmem>>
      %dma_wait3A_430 = arith.constant 0 : i32
      %dma_wait3A_431 = arith.constant 0 : i32
      %dma_wait3A_432 = tpu.memref_slice %arg5[%dma_wait3A_430, %dma_wait3A_431] : memref<32x1000000xf32, #tpu.memory_space<hbm>> -> memref<32x128xf32, #tpu.memory_space<hbm>>
      tpu.wait_dma2 semaphore(%arg17 : memref<!tpu.dma_semaphore, #tpu.memory_space<semaphore_mem>>) src(%dma_wait3A_432 : memref<32x128xf32, #tpu.memory_space<hbm>>) dst(%dma_wait3A_429 : memref<32x128xf32, #tpu.memory_space<vmem>>)
      %add3A_433 = arith.constant 96 : i32
      %add3A_434 = arith.addi %mul3A_254, %add3A_433 : i32
      %dma_wait3A_435 = arith.constant 0 : i32
      %dma_wait3A_436 = tpu.memref_slice %arg12[%add3A_434, %dma_wait3A_435] : memref<768x128xf32, #tpu.memory_space<vmem>> -> memref<32x128xf32, #tpu.memory_space<vmem>>
      %dma_wait3A_437 = arith.constant 0 : i32
      %dma_wait3A_438 = arith.constant 0 : i32
      %dma_wait3A_439 = tpu.memref_slice %arg4[%dma_wait3A_437, %dma_wait3A_438] : memref<32x1000000xf32, #tpu.memory_space<hbm>> -> memref<32x128xf32, #tpu.memory_space<hbm>>
      %dma_wait3A_440 = arith.constant 0 : i32
      %dma_wait3A_441 = tpu.memref_slice %arg12[%add3A_434, %dma_wait3A_440] : memref<768x128xf32, #tpu.memory_space<vmem>> -> memref<32x128xf32, #tpu.memory_space<vmem>>
      %dma_wait3A_442 = arith.constant 0 : i32
      %dma_wait3A_443 = arith.constant 0 : i32
      %dma_wait3A_444 = tpu.memref_slice %arg4[%dma_wait3A_442, %dma_wait3A_443] : memref<32x1000000xf32, #tpu.memory_space<hbm>> -> memref<32x128xf32, #tpu.memory_space<hbm>>
      tpu.wait_dma2 semaphore(%arg18 : memref<!tpu.dma_semaphore, #tpu.memory_space<semaphore_mem>>) src(%dma_wait3A_444 : memref<32x128xf32, #tpu.memory_space<hbm>>) dst(%dma_wait3A_441 : memref<32x128xf32, #tpu.memory_space<vmem>>)
      %dma_wait3A_445 = arith.constant 608 : i32
      %dma_wait3A_446 = arith.constant 0 : i32
      %dma_wait3A_447 = tpu.memref_slice %arg12[%dma_wait3A_445, %dma_wait3A_446] : memref<768x128xf32, #tpu.memory_space<vmem>> -> memref<32x128xf32, #tpu.memory_space<vmem>>
      %dma_wait3A_448 = arith.constant 0 : i32
      %dma_wait3A_449 = arith.constant 0 : i32
      %dma_wait3A_450 = tpu.memref_slice %arg5[%dma_wait3A_448, %dma_wait3A_449] : memref<32x1000000xf32, #tpu.memory_space<hbm>> -> memref<32x128xf32, #tpu.memory_space<hbm>>
      %dma_wait3A_451 = arith.constant 608 : i32
      %dma_wait3A_452 = arith.constant 0 : i32
      %dma_wait3A_453 = tpu.memref_slice %arg12[%dma_wait3A_451, %dma_wait3A_452] : memref<768x128xf32, #tpu.memory_space<vmem>> -> memref<32x128xf32, #tpu.memory_space<vmem>>
      %dma_wait3A_454 = arith.constant 0 : i32
      %dma_wait3A_455 = arith.constant 0 : i32
      %dma_wait3A_456 = tpu.memref_slice %arg5[%dma_wait3A_454, %dma_wait3A_455] : memref<32x1000000xf32, #tpu.memory_space<hbm>> -> memref<32x128xf32, #tpu.memory_space<hbm>>
      tpu.wait_dma2 semaphore(%arg17 : memref<!tpu.dma_semaphore, #tpu.memory_space<semaphore_mem>>) src(%dma_wait3A_456 : memref<32x128xf32, #tpu.memory_space<hbm>>) dst(%dma_wait3A_453 : memref<32x128xf32, #tpu.memory_space<vmem>>)
      %add3A_457 = arith.constant 128 : i32
      %add3A_458 = arith.addi %mul3A_254, %add3A_457 : i32
      %dma_wait3A_459 = arith.constant 0 : i32
      %dma_wait3A_460 = tpu.memref_slice %arg12[%add3A_458, %dma_wait3A_459] : memref<768x128xf32, #tpu.memory_space<vmem>> -> memref<32x128xf32, #tpu.memory_space<vmem>>
      %dma_wait3A_461 = arith.constant 0 : i32
      %dma_wait3A_462 = arith.constant 0 : i32
      %dma_wait3A_463 = tpu.memref_slice %arg4[%dma_wait3A_461, %dma_wait3A_462] : memref<32x1000000xf32, #tpu.memory_space<hbm>> -> memref<32x128xf32, #tpu.memory_space<hbm>>
      %dma_wait3A_464 = arith.constant 0 : i32
      %dma_wait3A_465 = tpu.memref_slice %arg12[%add3A_458, %dma_wait3A_464] : memref<768x128xf32, #tpu.memory_space<vmem>> -> memref<32x128xf32, #tpu.memory_space<vmem>>
      %dma_wait3A_466 = arith.constant 0 : i32
      %dma_wait3A_467 = arith.constant 0 : i32
      %dma_wait3A_468 = tpu.memref_slice %arg4[%dma_wait3A_466, %dma_wait3A_467] : memref<32x1000000xf32, #tpu.memory_space<hbm>> -> memref<32x128xf32, #tpu.memory_space<hbm>>
      tpu.wait_dma2 semaphore(%arg18 : memref<!tpu.dma_semaphore, #tpu.memory_space<semaphore_mem>>) src(%dma_wait3A_468 : memref<32x128xf32, #tpu.memory_space<hbm>>) dst(%dma_wait3A_465 : memref<32x128xf32, #tpu.memory_space<vmem>>)
      %dma_wait3A_469 = arith.constant 640 : i32
      %dma_wait3A_470 = arith.constant 0 : i32
      %dma_wait3A_471 = tpu.memref_slice %arg12[%dma_wait3A_469, %dma_wait3A_470] : memref<768x128xf32, #tpu.memory_space<vmem>> -> memref<32x128xf32, #tpu.memory_space<vmem>>
      %dma_wait3A_472 = arith.constant 0 : i32
      %dma_wait3A_473 = arith.constant 0 : i32
      %dma_wait3A_474 = tpu.memref_slice %arg5[%dma_wait3A_472, %dma_wait3A_473] : memref<32x1000000xf32, #tpu.memory_space<hbm>> -> memref<32x128xf32, #tpu.memory_space<hbm>>
      %dma_wait3A_475 = arith.constant 640 : i32
      %dma_wait3A_476 = arith.constant 0 : i32
      %dma_wait3A_477 = tpu.memref_slice %arg12[%dma_wait3A_475, %dma_wait3A_476] : memref<768x128xf32, #tpu.memory_space<vmem>> -> memref<32x128xf32, #tpu.memory_space<vmem>>
      %dma_wait3A_478 = arith.constant 0 : i32
      %dma_wait3A_479 = arith.constant 0 : i32
      %dma_wait3A_480 = tpu.memref_slice %arg5[%dma_wait3A_478, %dma_wait3A_479] : memref<32x1000000xf32, #tpu.memory_space<hbm>> -> memref<32x128xf32, #tpu.memory_space<hbm>>
      tpu.wait_dma2 semaphore(%arg17 : memref<!tpu.dma_semaphore, #tpu.memory_space<semaphore_mem>>) src(%dma_wait3A_480 : memref<32x128xf32, #tpu.memory_space<hbm>>) dst(%dma_wait3A_477 : memref<32x128xf32, #tpu.memory_space<vmem>>)
      %add3A_481 = arith.constant 160 : i32
      %add3A_482 = arith.addi %mul3A_254, %add3A_481 : i32
      %dma_wait3A_483 = arith.constant 0 : i32
      %dma_wait3A_484 = tpu.memref_slice %arg12[%add3A_482, %dma_wait3A_483] : memref<768x128xf32, #tpu.memory_space<vmem>> -> memref<32x128xf32, #tpu.memory_space<vmem>>
      %dma_wait3A_485 = arith.constant 0 : i32
      %dma_wait3A_486 = arith.constant 0 : i32
      %dma_wait3A_487 = tpu.memref_slice %arg4[%dma_wait3A_485, %dma_wait3A_486] : memref<32x1000000xf32, #tpu.memory_space<hbm>> -> memref<32x128xf32, #tpu.memory_space<hbm>>
      %dma_wait3A_488 = arith.constant 0 : i32
      %dma_wait3A_489 = tpu.memref_slice %arg12[%add3A_482, %dma_wait3A_488] : memref<768x128xf32, #tpu.memory_space<vmem>> -> memref<32x128xf32, #tpu.memory_space<vmem>>
      %dma_wait3A_490 = arith.constant 0 : i32
      %dma_wait3A_491 = arith.constant 0 : i32
      %dma_wait3A_492 = tpu.memref_slice %arg4[%dma_wait3A_490, %dma_wait3A_491] : memref<32x1000000xf32, #tpu.memory_space<hbm>> -> memref<32x128xf32, #tpu.memory_space<hbm>>
      tpu.wait_dma2 semaphore(%arg18 : memref<!tpu.dma_semaphore, #tpu.memory_space<semaphore_mem>>) src(%dma_wait3A_492 : memref<32x128xf32, #tpu.memory_space<hbm>>) dst(%dma_wait3A_489 : memref<32x128xf32, #tpu.memory_space<vmem>>)
      %dma_wait3A_493 = arith.constant 672 : i32
      %dma_wait3A_494 = arith.constant 0 : i32
      %dma_wait3A_495 = tpu.memref_slice %arg12[%dma_wait3A_493, %dma_wait3A_494] : memref<768x128xf32, #tpu.memory_space<vmem>> -> memref<32x128xf32, #tpu.memory_space<vmem>>
      %dma_wait3A_496 = arith.constant 0 : i32
      %dma_wait3A_497 = arith.constant 0 : i32
      %dma_wait3A_498 = tpu.memref_slice %arg5[%dma_wait3A_496, %dma_wait3A_497] : memref<32x1000000xf32, #tpu.memory_space<hbm>> -> memref<32x128xf32, #tpu.memory_space<hbm>>
      %dma_wait3A_499 = arith.constant 672 : i32
      %dma_wait3A_500 = arith.constant 0 : i32
      %dma_wait3A_501 = tpu.memref_slice %arg12[%dma_wait3A_499, %dma_wait3A_500] : memref<768x128xf32, #tpu.memory_space<vmem>> -> memref<32x128xf32, #tpu.memory_space<vmem>>
      %dma_wait3A_502 = arith.constant 0 : i32
      %dma_wait3A_503 = arith.constant 0 : i32
      %dma_wait3A_504 = tpu.memref_slice %arg5[%dma_wait3A_502, %dma_wait3A_503] : memref<32x1000000xf32, #tpu.memory_space<hbm>> -> memref<32x128xf32, #tpu.memory_space<hbm>>
      tpu.wait_dma2 semaphore(%arg17 : memref<!tpu.dma_semaphore, #tpu.memory_space<semaphore_mem>>) src(%dma_wait3A_504 : memref<32x128xf32, #tpu.memory_space<hbm>>) dst(%dma_wait3A_501 : memref<32x128xf32, #tpu.memory_space<vmem>>)
      %add3A_505 = arith.constant 192 : i32
      %add3A_506 = arith.addi %mul3A_254, %add3A_505 : i32
      %dma_wait3A_507 = arith.constant 0 : i32
      %dma_wait3A_508 = tpu.memref_slice %arg12[%add3A_506, %dma_wait3A_507] : memref<768x128xf32, #tpu.memory_space<vmem>> -> memref<32x128xf32, #tpu.memory_space<vmem>>
      %dma_wait3A_509 = arith.constant 0 : i32
      %dma_wait3A_510 = arith.constant 0 : i32
      %dma_wait3A_511 = tpu.memref_slice %arg4[%dma_wait3A_509, %dma_wait3A_510] : memref<32x1000000xf32, #tpu.memory_space<hbm>> -> memref<32x128xf32, #tpu.memory_space<hbm>>
      %dma_wait3A_512 = arith.constant 0 : i32
      %dma_wait3A_513 = tpu.memref_slice %arg12[%add3A_506, %dma_wait3A_512] : memref<768x128xf32, #tpu.memory_space<vmem>> -> memref<32x128xf32, #tpu.memory_space<vmem>>
      %dma_wait3A_514 = arith.constant 0 : i32
      %dma_wait3A_515 = arith.constant 0 : i32
      %dma_wait3A_516 = tpu.memref_slice %arg4[%dma_wait3A_514, %dma_wait3A_515] : memref<32x1000000xf32, #tpu.memory_space<hbm>> -> memref<32x128xf32, #tpu.memory_space<hbm>>
      tpu.wait_dma2 semaphore(%arg18 : memref<!tpu.dma_semaphore, #tpu.memory_space<semaphore_mem>>) src(%dma_wait3A_516 : memref<32x128xf32, #tpu.memory_space<hbm>>) dst(%dma_wait3A_513 : memref<32x128xf32, #tpu.memory_space<vmem>>)
      %dma_wait3A_517 = arith.constant 704 : i32
      %dma_wait3A_518 = arith.constant 0 : i32
      %dma_wait3A_519 = tpu.memref_slice %arg12[%dma_wait3A_517, %dma_wait3A_518] : memref<768x128xf32, #tpu.memory_space<vmem>> -> memref<32x128xf32, #tpu.memory_space<vmem>>
      %dma_wait3A_520 = arith.constant 0 : i32
      %dma_wait3A_521 = arith.constant 0 : i32
      %dma_wait3A_522 = tpu.memref_slice %arg5[%dma_wait3A_520, %dma_wait3A_521] : memref<32x1000000xf32, #tpu.memory_space<hbm>> -> memref<32x128xf32, #tpu.memory_space<hbm>>
      %dma_wait3A_523 = arith.constant 704 : i32
      %dma_wait3A_524 = arith.constant 0 : i32
      %dma_wait3A_525 = tpu.memref_slice %arg12[%dma_wait3A_523, %dma_wait3A_524] : memref<768x128xf32, #tpu.memory_space<vmem>> -> memref<32x128xf32, #tpu.memory_space<vmem>>
      %dma_wait3A_526 = arith.constant 0 : i32
      %dma_wait3A_527 = arith.constant 0 : i32
      %dma_wait3A_528 = tpu.memref_slice %arg5[%dma_wait3A_526, %dma_wait3A_527] : memref<32x1000000xf32, #tpu.memory_space<hbm>> -> memref<32x128xf32, #tpu.memory_space<hbm>>
      tpu.wait_dma2 semaphore(%arg17 : memref<!tpu.dma_semaphore, #tpu.memory_space<semaphore_mem>>) src(%dma_wait3A_528 : memref<32x128xf32, #tpu.memory_space<hbm>>) dst(%dma_wait3A_525 : memref<32x128xf32, #tpu.memory_space<vmem>>)
      %add3A_529 = arith.constant 224 : i32
      %add3A_530 = arith.addi %mul3A_254, %add3A_529 : i32
      %dma_wait3A_531 = arith.constant 0 : i32
      %dma_wait3A_532 = tpu.memref_slice %arg12[%add3A_530, %dma_wait3A_531] : memref<768x128xf32, #tpu.memory_space<vmem>> -> memref<32x128xf32, #tpu.memory_space<vmem>>
      %dma_wait3A_533 = arith.constant 0 : i32
      %dma_wait3A_534 = arith.constant 0 : i32
      %dma_wait3A_535 = tpu.memref_slice %arg4[%dma_wait3A_533, %dma_wait3A_534] : memref<32x1000000xf32, #tpu.memory_space<hbm>> -> memref<32x128xf32, #tpu.memory_space<hbm>>
      %dma_wait3A_536 = arith.constant 0 : i32
      %dma_wait3A_537 = tpu.memref_slice %arg12[%add3A_530, %dma_wait3A_536] : memref<768x128xf32, #tpu.memory_space<vmem>> -> memref<32x128xf32, #tpu.memory_space<vmem>>
      %dma_wait3A_538 = arith.constant 0 : i32
      %dma_wait3A_539 = arith.constant 0 : i32
      %dma_wait3A_540 = tpu.memref_slice %arg4[%dma_wait3A_538, %dma_wait3A_539] : memref<32x1000000xf32, #tpu.memory_space<hbm>> -> memref<32x128xf32, #tpu.memory_space<hbm>>
      tpu.wait_dma2 semaphore(%arg18 : memref<!tpu.dma_semaphore, #tpu.memory_space<semaphore_mem>>) src(%dma_wait3A_540 : memref<32x128xf32, #tpu.memory_space<hbm>>) dst(%dma_wait3A_537 : memref<32x128xf32, #tpu.memory_space<vmem>>)
      %dma_wait3A_541 = arith.constant 736 : i32
      %dma_wait3A_542 = arith.constant 0 : i32
      %dma_wait3A_543 = tpu.memref_slice %arg12[%dma_wait3A_541, %dma_wait3A_542] : memref<768x128xf32, #tpu.memory_space<vmem>> -> memref<32x128xf32, #tpu.memory_space<vmem>>
      %dma_wait3A_544 = arith.constant 0 : i32
      %dma_wait3A_545 = arith.constant 0 : i32
      %dma_wait3A_546 = tpu.memref_slice %arg5[%dma_wait3A_544, %dma_wait3A_545] : memref<32x1000000xf32, #tpu.memory_space<hbm>> -> memref<32x128xf32, #tpu.memory_space<hbm>>
      %dma_wait3A_547 = arith.constant 736 : i32
      %dma_wait3A_548 = arith.constant 0 : i32
      %dma_wait3A_549 = tpu.memref_slice %arg12[%dma_wait3A_547, %dma_wait3A_548] : memref<768x128xf32, #tpu.memory_space<vmem>> -> memref<32x128xf32, #tpu.memory_space<vmem>>
      %dma_wait3A_550 = arith.constant 0 : i32
      %dma_wait3A_551 = arith.constant 0 : i32
      %dma_wait3A_552 = tpu.memref_slice %arg5[%dma_wait3A_550, %dma_wait3A_551] : memref<32x1000000xf32, #tpu.memory_space<hbm>> -> memref<32x128xf32, #tpu.memory_space<hbm>>
      tpu.wait_dma2 semaphore(%arg17 : memref<!tpu.dma_semaphore, #tpu.memory_space<semaphore_mem>>) src(%dma_wait3A_552 : memref<32x128xf32, #tpu.memory_space<hbm>>) dst(%dma_wait3A_549 : memref<32x128xf32, #tpu.memory_space<vmem>>)
      %and3A_553 = arith.constant 1 : i32
      %and3A_554 = arith.andi %scan3A_230, %and3A_553 : i32
      %mul3A_555 = arith.constant 8 : i32
      %mul3A_556 = arith.muli %mul3A_555, %and3A_554 : i32
      %broadcast_in_dim3A_557 = arith.constant 1 : i32
      %broadcast_in_dim3A_558 = vector.broadcast %broadcast_in_dim3A_557 : i32 to vector<16xi32>
      %slice3A_559 = vector.extract_strided_slice %and3A_241 {offsets = [0], sizes = [1], strides = [1]} : vector<16xi32> to vector<1xi32>
      %squeeze3A_560 = vector.extract %slice3A_559[0] : i32 from vector<1xi32>
      %mul3A_561 = vector.broadcast %squeeze3A_560 : i32 to vector<16xi32>
      %mul3A_562 = arith.muli %broadcast_in_dim3A_558, %mul3A_561 : vector<16xi32>
      %broadcast_in_dim3A_563 = arith.constant 1 : i32
      %broadcast_in_dim3A_564 = vector.broadcast %broadcast_in_dim3A_563 : i32 to vector<16xi32>
      %slice3A_565 = vector.extract_strided_slice %and3A_244 {offsets = [0], sizes = [1], strides = [1]} : vector<16xi32> to vector<1xi32>
      %squeeze3A_566 = vector.extract %slice3A_565[0] : i32 from vector<1xi32>
      %mul3A_567 = vector.broadcast %squeeze3A_566 : i32 to vector<16xi32>
      %mul3A_568 = arith.muli %broadcast_in_dim3A_564, %mul3A_567 : vector<16xi32>
      %add3A_569 = arith.constant 0 : i32
      %add3A_570 = arith.addi %mul3A_254, %add3A_569 : i32
      %add3A_571 = vector.broadcast %add3A_570 : i32 to vector<16xi32>
      %add3A_572 = arith.addi %add3A_571, %iota3A : vector<16xi32>
      %gather3A = tpu.vector_load_idx %arg12[%add3A_572, %mul3A_562] : memref<768x128xf32, #tpu.memory_space<vmem>>[vector<16xi32>, vector<16xi32>], vector<16xf32>,
      %add3A_573 = vector.broadcast %add3A_570 : i32 to vector<16xi32>
      %add3A_574 = arith.addi %add3A_573, %add3A_116 : vector<16xi32>
      %gather3A_575 = tpu.vector_load_idx %arg12[%add3A_574, %mul3A_562] : memref<768x128xf32, #tpu.memory_space<vmem>>[vector<16xi32>, vector<16xi32>], vector<16xf32>,
      %add3A_576 = arith.constant 512 : i32
      %add3A_577 = vector.broadcast %add3A_576 : i32 to vector<16xi32>
      %add3A_578 = arith.addi %add3A_577, %iota3A : vector<16xi32>
      %gather3A_579 = tpu.vector_load_idx %arg12[%add3A_578, %mul3A_568] : memref<768x128xf32, #tpu.memory_space<vmem>>[vector<16xi32>, vector<16xi32>], vector<16xf32>,
      %add3A_580 = arith.constant 512 : i32
      %add3A_581 = vector.broadcast %add3A_580 : i32 to vector<16xi32>
      %add3A_582 = arith.addi %add3A_581, %add3A_116 : vector<16xi32>
      %gather3A_583 = tpu.vector_load_idx %arg12[%add3A_582, %mul3A_568] : memref<768x128xf32, #tpu.memory_space<vmem>>[vector<16xi32>, vector<16xi32>], vector<16xf32>,
      %mul3A_584 = arith.mulf %gather3A, %gather3A_579 : vector<16xf32>
      %mul3A_585 = arith.mulf %gather3A_575, %gather3A_583 : vector<16xf32>
      %add3A_586 = arith.addf %mul3A_584, %mul3A_585 : vector<16xf32>
      %reduce_sum3A = arith.constant true
      %reduce_sum3A_587 = vector.broadcast %reduce_sum3A : i1 to vector<16xi1>
      %reduce_sum3A_588 = tpu.scan <sum>, %add3A_586 masked %reduce_sum3A_587 : vector<16xf32>, vector<16xi1> -> vector<16xf32>
      %reduce_sum3A_589 = vector.extract %reduce_sum3A_588[15] : f32 from vector<16xf32>
      %add3A_590 = arith.constant 0 : i32
      %add3A_591 = arith.addi %mul3A_556, %add3A_590 : i32
      %eq3A = vector.broadcast %add3A_591 : i32 to vector<16xi32>
      %eq3A_592 = arith.cmpi eq, %iota3A, %eq3A : vector<16xi32>
      %add3A_593 = vector.broadcast %reduce_sum3A_589 : f32 to vector<16xf32>
      %add3A_594 = arith.addf %scan3A_231, %add3A_593 : vector<16xf32>
      %select_n3A = arith.select %eq3A_592, %add3A_594, %scan3A_231 : vector<16xi1>, vector<16xf32>
      %broadcast_in_dim3A_595 = arith.constant 1 : i32
      %broadcast_in_dim3A_596 = vector.broadcast %broadcast_in_dim3A_595 : i32 to vector<16xi32>
      %slice3A_597 = vector.extract_strided_slice %and3A_241 {offsets = [1], sizes = [1], strides = [1]} : vector<16xi32> to vector<1xi32>
      %squeeze3A_598 = vector.extract %slice3A_597[0] : i32 from vector<1xi32>
      %mul3A_599 = vector.broadcast %squeeze3A_598 : i32 to vector<16xi32>
      %mul3A_600 = arith.muli %broadcast_in_dim3A_596, %mul3A_599 : vector<16xi32>
      %broadcast_in_dim3A_601 = arith.constant 1 : i32
      %broadcast_in_dim3A_602 = vector.broadcast %broadcast_in_dim3A_601 : i32 to vector<16xi32>
      %slice3A_603 = vector.extract_strided_slice %and3A_244 {offsets = [1], sizes = [1], strides = [1]} : vector<16xi32> to vector<1xi32>
      %squeeze3A_604 = vector.extract %slice3A_603[0] : i32 from vector<1xi32>
      %mul3A_605 = vector.broadcast %squeeze3A_604 : i32 to vector<16xi32>
      %mul3A_606 = arith.muli %broadcast_in_dim3A_602, %mul3A_605 : vector<16xi32>
      %add3A_607 = arith.constant 32 : i32
      %add3A_608 = arith.addi %mul3A_254, %add3A_607 : i32
      %add3A_609 = vector.broadcast %add3A_608 : i32 to vector<16xi32>
      %add3A_610 = arith.addi %add3A_609, %iota3A : vector<16xi32>
      %gather3A_611 = tpu.vector_load_idx %arg12[%add3A_610, %mul3A_600] : memref<768x128xf32, #tpu.memory_space<vmem>>[vector<16xi32>, vector<16xi32>], vector<16xf32>,
      %add3A_612 = vector.broadcast %add3A_608 : i32 to vector<16xi32>
      %add3A_613 = arith.addi %add3A_612, %add3A_116 : vector<16xi32>
      %gather3A_614 = tpu.vector_load_idx %arg12[%add3A_613, %mul3A_600] : memref<768x128xf32, #tpu.memory_space<vmem>>[vector<16xi32>, vector<16xi32>], vector<16xf32>,
      %add3A_615 = arith.constant 544 : i32
      %add3A_616 = vector.broadcast %add3A_615 : i32 to vector<16xi32>
      %add3A_617 = arith.addi %add3A_616, %iota3A : vector<16xi32>
      %gather3A_618 = tpu.vector_load_idx %arg12[%add3A_617, %mul3A_606] : memref<768x128xf32, #tpu.memory_space<vmem>>[vector<16xi32>, vector<16xi32>], vector<16xf32>,
      %add3A_619 = arith.constant 544 : i32
      %add3A_620 = vector.broadcast %add3A_619 : i32 to vector<16xi32>
      %add3A_621 = arith.addi %add3A_620, %add3A_116 : vector<16xi32>
      %gather3A_622 = tpu.vector_load_idx %arg12[%add3A_621, %mul3A_606] : memref<768x128xf32, #tpu.memory_space<vmem>>[vector<16xi32>, vector<16xi32>], vector<16xf32>,
      %mul3A_623 = arith.mulf %gather3A_611, %gather3A_618 : vector<16xf32>
      %mul3A_624 = arith.mulf %gather3A_614, %gather3A_622 : vector<16xf32>
      %add3A_625 = arith.addf %mul3A_623, %mul3A_624 : vector<16xf32>
      %reduce_sum3A_626 = arith.constant true
      %reduce_sum3A_627 = vector.broadcast %reduce_sum3A_626 : i1 to vector<16xi1>
      %reduce_sum3A_628 = tpu.scan <sum>, %add3A_625 masked %reduce_sum3A_627 : vector<16xf32>, vector<16xi1> -> vector<16xf32>
      %reduce_sum3A_629 = vector.extract %reduce_sum3A_628[15] : f32 from vector<16xf32>
      %add3A_630 = arith.constant 1 : i32
      %add3A_631 = arith.addi %mul3A_556, %add3A_630 : i32
      %eq3A_632 = vector.broadcast %add3A_631 : i32 to vector<16xi32>
      %eq3A_633 = arith.cmpi eq, %iota3A, %eq3A_632 : vector<16xi32>
      %add3A_634 = vector.broadcast %reduce_sum3A_629 : f32 to vector<16xf32>
      %add3A_635 = arith.addf %select_n3A, %add3A_634 : vector<16xf32>
      %select_n3A_636 = arith.select %eq3A_633, %add3A_635, %select_n3A : vector<16xi1>, vector<16xf32>
      %broadcast_in_dim3A_637 = arith.constant 1 : i32
      %broadcast_in_dim3A_638 = vector.broadcast %broadcast_in_dim3A_637 : i32 to vector<16xi32>
      %slice3A_639 = vector.extract_strided_slice %and3A_241 {offsets = [2], sizes = [1], strides = [1]} : vector<16xi32> to vector<1xi32>
      %squeeze3A_640 = vector.extract %slice3A_639[0] : i32 from vector<1xi32>
      %mul3A_641 = vector.broadcast %squeeze3A_640 : i32 to vector<16xi32>
      %mul3A_642 = arith.muli %broadcast_in_dim3A_638, %mul3A_641 : vector<16xi32>
      %broadcast_in_dim3A_643 = arith.constant 1 : i32
      %broadcast_in_dim3A_644 = vector.broadcast %broadcast_in_dim3A_643 : i32 to vector<16xi32>
      %slice3A_645 = vector.extract_strided_slice %and3A_244 {offsets = [2], sizes = [1], strides = [1]} : vector<16xi32> to vector<1xi32>
      %squeeze3A_646 = vector.extract %slice3A_645[0] : i32 from vector<1xi32>
      %mul3A_647 = vector.broadcast %squeeze3A_646 : i32 to vector<16xi32>
      %mul3A_648 = arith.muli %broadcast_in_dim3A_644, %mul3A_647 : vector<16xi32>
      %add3A_649 = arith.constant 64 : i32
      %add3A_650 = arith.addi %mul3A_254, %add3A_649 : i32
      %add3A_651 = vector.broadcast %add3A_650 : i32 to vector<16xi32>
      %add3A_652 = arith.addi %add3A_651, %iota3A : vector<16xi32>
      %gather3A_653 = tpu.vector_load_idx %arg12[%add3A_652, %mul3A_642] : memref<768x128xf32, #tpu.memory_space<vmem>>[vector<16xi32>, vector<16xi32>], vector<16xf32>,
      %add3A_654 = vector.broadcast %add3A_650 : i32 to vector<16xi32>
      %add3A_655 = arith.addi %add3A_654, %add3A_116 : vector<16xi32>
      %gather3A_656 = tpu.vector_load_idx %arg12[%add3A_655, %mul3A_642] : memref<768x128xf32, #tpu.memory_space<vmem>>[vector<16xi32>, vector<16xi32>], vector<16xf32>,
      %add3A_657 = arith.constant 576 : i32
      %add3A_658 = vector.broadcast %add3A_657 : i32 to vector<16xi32>
      %add3A_659 = arith.addi %add3A_658, %iota3A : vector<16xi32>
      %gather3A_660 = tpu.vector_load_idx %arg12[%add3A_659, %mul3A_648] : memref<768x128xf32, #tpu.memory_space<vmem>>[vector<16xi32>, vector<16xi32>], vector<16xf32>,
      %add3A_661 = arith.constant 576 : i32
      %add3A_662 = vector.broadcast %add3A_661 : i32 to vector<16xi32>
      %add3A_663 = arith.addi %add3A_662, %add3A_116 : vector<16xi32>
      %gather3A_664 = tpu.vector_load_idx %arg12[%add3A_663, %mul3A_648] : memref<768x128xf32, #tpu.memory_space<vmem>>[vector<16xi32>, vector<16xi32>], vector<16xf32>,
      %mul3A_665 = arith.mulf %gather3A_653, %gather3A_660 : vector<16xf32>
      %mul3A_666 = arith.mulf %gather3A_656, %gather3A_664 : vector<16xf32>
      %add3A_667 = arith.addf %mul3A_665, %mul3A_666 : vector<16xf32>
      %reduce_sum3A_668 = arith.constant true
      %reduce_sum3A_669 = vector.broadcast %reduce_sum3A_668 : i1 to vector<16xi1>
      %reduce_sum3A_670 = tpu.scan <sum>, %add3A_667 masked %reduce_sum3A_669 : vector<16xf32>, vector<16xi1> -> vector<16xf32>
      %reduce_sum3A_671 = vector.extract %reduce_sum3A_670[15] : f32 from vector<16xf32>
      %add3A_672 = arith.constant 2 : i32
      %add3A_673 = arith.addi %mul3A_556, %add3A_672 : i32
      %eq3A_674 = vector.broadcast %add3A_673 : i32 to vector<16xi32>
      %eq3A_675 = arith.cmpi eq, %iota3A, %eq3A_674 : vector<16xi32>
      %add3A_676 = vector.broadcast %reduce_sum3A_671 : f32 to vector<16xf32>
      %add3A_677 = arith.addf %select_n3A_636, %add3A_676 : vector<16xf32>
      %select_n3A_678 = arith.select %eq3A_675, %add3A_677, %select_n3A_636 : vector<16xi1>, vector<16xf32>
      %broadcast_in_dim3A_679 = arith.constant 1 : i32
      %broadcast_in_dim3A_680 = vector.broadcast %broadcast_in_dim3A_679 : i32 to vector<16xi32>
      %slice3A_681 = vector.extract_strided_slice %and3A_241 {offsets = [3], sizes = [1], strides = [1]} : vector<16xi32> to vector<1xi32>
      %squeeze3A_682 = vector.extract %slice3A_681[0] : i32 from vector<1xi32>
      %mul3A_683 = vector.broadcast %squeeze3A_682 : i32 to vector<16xi32>
      %mul3A_684 = arith.muli %broadcast_in_dim3A_680, %mul3A_683 : vector<16xi32>
      %broadcast_in_dim3A_685 = arith.constant 1 : i32
      %broadcast_in_dim3A_686 = vector.broadcast %broadcast_in_dim3A_685 : i32 to vector<16xi32>
      %slice3A_687 = vector.extract_strided_slice %and3A_244 {offsets = [3], sizes = [1], strides = [1]} : vector<16xi32> to vector<1xi32>
      %squeeze3A_688 = vector.extract %slice3A_687[0] : i32 from vector<1xi32>
      %mul3A_689 = vector.broadcast %squeeze3A_688 : i32 to vector<16xi32>
      %mul3A_690 = arith.muli %broadcast_in_dim3A_686, %mul3A_689 : vector<16xi32>
      %add3A_691 = arith.constant 96 : i32
      %add3A_692 = arith.addi %mul3A_254, %add3A_691 : i32
      %add3A_693 = vector.broadcast %add3A_692 : i32 to vector<16xi32>
      %add3A_694 = arith.addi %add3A_693, %iota3A : vector<16xi32>
      %gather3A_695 = tpu.vector_load_idx %arg12[%add3A_694, %mul3A_684] : memref<768x128xf32, #tpu.memory_space<vmem>>[vector<16xi32>, vector<16xi32>], vector<16xf32>,
      %add3A_696 = vector.broadcast %add3A_692 : i32 to vector<16xi32>
      %add3A_697 = arith.addi %add3A_696, %add3A_116 : vector<16xi32>
      %gather3A_698 = tpu.vector_load_idx %arg12[%add3A_697, %mul3A_684] : memref<768x128xf32, #tpu.memory_space<vmem>>[vector<16xi32>, vector<16xi32>], vector<16xf32>,
      %add3A_699 = arith.constant 608 : i32
      %add3A_700 = vector.broadcast %add3A_699 : i32 to vector<16xi32>
      %add3A_701 = arith.addi %add3A_700, %iota3A : vector<16xi32>
      %gather3A_702 = tpu.vector_load_idx %arg12[%add3A_701, %mul3A_690] : memref<768x128xf32, #tpu.memory_space<vmem>>[vector<16xi32>, vector<16xi32>], vector<16xf32>,
      %add3A_703 = arith.constant 608 : i32
      %add3A_704 = vector.broadcast %add3A_703 : i32 to vector<16xi32>
      %add3A_705 = arith.addi %add3A_704, %add3A_116 : vector<16xi32>
      %gather3A_706 = tpu.vector_load_idx %arg12[%add3A_705, %mul3A_690] : memref<768x128xf32, #tpu.memory_space<vmem>>[vector<16xi32>, vector<16xi32>], vector<16xf32>,
      %mul3A_707 = arith.mulf %gather3A_695, %gather3A_702 : vector<16xf32>
      %mul3A_708 = arith.mulf %gather3A_698, %gather3A_706 : vector<16xf32>
      %add3A_709 = arith.addf %mul3A_707, %mul3A_708 : vector<16xf32>
      %reduce_sum3A_710 = arith.constant true
      %reduce_sum3A_711 = vector.broadcast %reduce_sum3A_710 : i1 to vector<16xi1>
      %reduce_sum3A_712 = tpu.scan <sum>, %add3A_709 masked %reduce_sum3A_711 : vector<16xf32>, vector<16xi1> -> vector<16xf32>
      %reduce_sum3A_713 = vector.extract %reduce_sum3A_712[15] : f32 from vector<16xf32>
      %add3A_714 = arith.constant 3 : i32
      %add3A_715 = arith.addi %mul3A_556, %add3A_714 : i32
      %eq3A_716 = vector.broadcast %add3A_715 : i32 to vector<16xi32>
      %eq3A_717 = arith.cmpi eq, %iota3A, %eq3A_716 : vector<16xi32>
      %add3A_718 = vector.broadcast %reduce_sum3A_713 : f32 to vector<16xf32>
      %add3A_719 = arith.addf %select_n3A_678, %add3A_718 : vector<16xf32>
      %select_n3A_720 = arith.select %eq3A_717, %add3A_719, %select_n3A_678 : vector<16xi1>, vector<16xf32>
      %broadcast_in_dim3A_721 = arith.constant 1 : i32
      %broadcast_in_dim3A_722 = vector.broadcast %broadcast_in_dim3A_721 : i32 to vector<16xi32>
      %slice3A_723 = vector.extract_strided_slice %and3A_241 {offsets = [4], sizes = [1], strides = [1]} : vector<16xi32> to vector<1xi32>
      %squeeze3A_724 = vector.extract %slice3A_723[0] : i32 from vector<1xi32>
      %mul3A_725 = vector.broadcast %squeeze3A_724 : i32 to vector<16xi32>
      %mul3A_726 = arith.muli %broadcast_in_dim3A_722, %mul3A_725 : vector<16xi32>
      %broadcast_in_dim3A_727 = arith.constant 1 : i32
      %broadcast_in_dim3A_728 = vector.broadcast %broadcast_in_dim3A_727 : i32 to vector<16xi32>
      %slice3A_729 = vector.extract_strided_slice %and3A_244 {offsets = [4], sizes = [1], strides = [1]} : vector<16xi32> to vector<1xi32>
      %squeeze3A_730 = vector.extract %slice3A_729[0] : i32 from vector<1xi32>
      %mul3A_731 = vector.broadcast %squeeze3A_730 : i32 to vector<16xi32>
      %mul3A_732 = arith.muli %broadcast_in_dim3A_728, %mul3A_731 : vector<16xi32>
      %add3A_733 = arith.constant 128 : i32
      %add3A_734 = arith.addi %mul3A_254, %add3A_733 : i32
      %add3A_735 = vector.broadcast %add3A_734 : i32 to vector<16xi32>
      %add3A_736 = arith.addi %add3A_735, %iota3A : vector<16xi32>
      %gather3A_737 = tpu.vector_load_idx %arg12[%add3A_736, %mul3A_726] : memref<768x128xf32, #tpu.memory_space<vmem>>[vector<16xi32>, vector<16xi32>], vector<16xf32>,
      %add3A_738 = vector.broadcast %add3A_734 : i32 to vector<16xi32>
      %add3A_739 = arith.addi %add3A_738, %add3A_116 : vector<16xi32>
      %gather3A_740 = tpu.vector_load_idx %arg12[%add3A_739, %mul3A_726] : memref<768x128xf32, #tpu.memory_space<vmem>>[vector<16xi32>, vector<16xi32>], vector<16xf32>,
      %add3A_741 = arith.constant 640 : i32
      %add3A_742 = vector.broadcast %add3A_741 : i32 to vector<16xi32>
      %add3A_743 = arith.addi %add3A_742, %iota3A : vector<16xi32>
      %gather3A_744 = tpu.vector_load_idx %arg12[%add3A_743, %mul3A_732] : memref<768x128xf32, #tpu.memory_space<vmem>>[vector<16xi32>, vector<16xi32>], vector<16xf32>,
      %add3A_745 = arith.constant 640 : i32
      %add3A_746 = vector.broadcast %add3A_745 : i32 to vector<16xi32>
      %add3A_747 = arith.addi %add3A_746, %add3A_116 : vector<16xi32>
      %gather3A_748 = tpu.vector_load_idx %arg12[%add3A_747, %mul3A_732] : memref<768x128xf32, #tpu.memory_space<vmem>>[vector<16xi32>, vector<16xi32>], vector<16xf32>,
      %mul3A_749 = arith.mulf %gather3A_737, %gather3A_744 : vector<16xf32>
      %mul3A_750 = arith.mulf %gather3A_740, %gather3A_748 : vector<16xf32>
      %add3A_751 = arith.addf %mul3A_749, %mul3A_750 : vector<16xf32>
      %reduce_sum3A_752 = arith.constant true
      %reduce_sum3A_753 = vector.broadcast %reduce_sum3A_752 : i1 to vector<16xi1>
      %reduce_sum3A_754 = tpu.scan <sum>, %add3A_751 masked %reduce_sum3A_753 : vector<16xf32>, vector<16xi1> -> vector<16xf32>
      %reduce_sum3A_755 = vector.extract %reduce_sum3A_754[15] : f32 from vector<16xf32>
      %add3A_756 = arith.constant 4 : i32
      %add3A_757 = arith.addi %mul3A_556, %add3A_756 : i32
      %eq3A_758 = vector.broadcast %add3A_757 : i32 to vector<16xi32>
      %eq3A_759 = arith.cmpi eq, %iota3A, %eq3A_758 : vector<16xi32>
      %add3A_760 = vector.broadcast %reduce_sum3A_755 : f32 to vector<16xf32>
      %add3A_761 = arith.addf %select_n3A_720, %add3A_760 : vector<16xf32>
      %select_n3A_762 = arith.select %eq3A_759, %add3A_761, %select_n3A_720 : vector<16xi1>, vector<16xf32>
      %broadcast_in_dim3A_763 = arith.constant 1 : i32
      %broadcast_in_dim3A_764 = vector.broadcast %broadcast_in_dim3A_763 : i32 to vector<16xi32>
      %slice3A_765 = vector.extract_strided_slice %and3A_241 {offsets = [5], sizes = [1], strides = [1]} : vector<16xi32> to vector<1xi32>
      %squeeze3A_766 = vector.extract %slice3A_765[0] : i32 from vector<1xi32>
      %mul3A_767 = vector.broadcast %squeeze3A_766 : i32 to vector<16xi32>
      %mul3A_768 = arith.muli %broadcast_in_dim3A_764, %mul3A_767 : vector<16xi32>
      %broadcast_in_dim3A_769 = arith.constant 1 : i32
      %broadcast_in_dim3A_770 = vector.broadcast %broadcast_in_dim3A_769 : i32 to vector<16xi32>
      %slice3A_771 = vector.extract_strided_slice %and3A_244 {offsets = [5], sizes = [1], strides = [1]} : vector<16xi32> to vector<1xi32>
      %squeeze3A_772 = vector.extract %slice3A_771[0] : i32 from vector<1xi32>
      %mul3A_773 = vector.broadcast %squeeze3A_772 : i32 to vector<16xi32>
      %mul3A_774 = arith.muli %broadcast_in_dim3A_770, %mul3A_773 : vector<16xi32>
      %add3A_775 = arith.constant 160 : i32
      %add3A_776 = arith.addi %mul3A_254, %add3A_775 : i32
      %add3A_777 = vector.broadcast %add3A_776 : i32 to vector<16xi32>
      %add3A_778 = arith.addi %add3A_777, %iota3A : vector<16xi32>
      %gather3A_779 = tpu.vector_load_idx %arg12[%add3A_778, %mul3A_768] : memref<768x128xf32, #tpu.memory_space<vmem>>[vector<16xi32>, vector<16xi32>], vector<16xf32>,
      %add3A_780 = vector.broadcast %add3A_776 : i32 to vector<16xi32>
      %add3A_781 = arith.addi %add3A_780, %add3A_116 : vector<16xi32>
      %gather3A_782 = tpu.vector_load_idx %arg12[%add3A_781, %mul3A_768] : memref<768x128xf32, #tpu.memory_space<vmem>>[vector<16xi32>, vector<16xi32>], vector<16xf32>,
      %add3A_783 = arith.constant 672 : i32
      %add3A_784 = vector.broadcast %add3A_783 : i32 to vector<16xi32>
      %add3A_785 = arith.addi %add3A_784, %iota3A : vector<16xi32>
      %gather3A_786 = tpu.vector_load_idx %arg12[%add3A_785, %mul3A_774] : memref<768x128xf32, #tpu.memory_space<vmem>>[vector<16xi32>, vector<16xi32>], vector<16xf32>,
      %add3A_787 = arith.constant 672 : i32
      %add3A_788 = vector.broadcast %add3A_787 : i32 to vector<16xi32>
      %add3A_789 = arith.addi %add3A_788, %add3A_116 : vector<16xi32>
      %gather3A_790 = tpu.vector_load_idx %arg12[%add3A_789, %mul3A_774] : memref<768x128xf32, #tpu.memory_space<vmem>>[vector<16xi32>, vector<16xi32>], vector<16xf32>,
      %mul3A_791 = arith.mulf %gather3A_779, %gather3A_786 : vector<16xf32>
      %mul3A_792 = arith.mulf %gather3A_782, %gather3A_790 : vector<16xf32>
      %add3A_793 = arith.addf %mul3A_791, %mul3A_792 : vector<16xf32>
      %reduce_sum3A_794 = arith.constant true
      %reduce_sum3A_795 = vector.broadcast %reduce_sum3A_794 : i1 to vector<16xi1>
      %reduce_sum3A_796 = tpu.scan <sum>, %add3A_793 masked %reduce_sum3A_795 : vector<16xf32>, vector<16xi1> -> vector<16xf32>
      %reduce_sum3A_797 = vector.extract %reduce_sum3A_796[15] : f32 from vector<16xf32>
      %add3A_798 = arith.constant 5 : i32
      %add3A_799 = arith.addi %mul3A_556, %add3A_798 : i32
      %eq3A_800 = vector.broadcast %add3A_799 : i32 to vector<16xi32>
      %eq3A_801 = arith.cmpi eq, %iota3A, %eq3A_800 : vector<16xi32>
      %add3A_802 = vector.broadcast %reduce_sum3A_797 : f32 to vector<16xf32>
      %add3A_803 = arith.addf %select_n3A_762, %add3A_802 : vector<16xf32>
      %select_n3A_804 = arith.select %eq3A_801, %add3A_803, %select_n3A_762 : vector<16xi1>, vector<16xf32>
      %broadcast_in_dim3A_805 = arith.constant 1 : i32
      %broadcast_in_dim3A_806 = vector.broadcast %broadcast_in_dim3A_805 : i32 to vector<16xi32>
      %slice3A_807 = vector.extract_strided_slice %and3A_241 {offsets = [6], sizes = [1], strides = [1]} : vector<16xi32> to vector<1xi32>
      %squeeze3A_808 = vector.extract %slice3A_807[0] : i32 from vector<1xi32>
      %mul3A_809 = vector.broadcast %squeeze3A_808 : i32 to vector<16xi32>
      %mul3A_810 = arith.muli %broadcast_in_dim3A_806, %mul3A_809 : vector<16xi32>
      %broadcast_in_dim3A_811 = arith.constant 1 : i32
      %broadcast_in_dim3A_812 = vector.broadcast %broadcast_in_dim3A_811 : i32 to vector<16xi32>
      %slice3A_813 = vector.extract_strided_slice %and3A_244 {offsets = [6], sizes = [1], strides = [1]} : vector<16xi32> to vector<1xi32>
      %squeeze3A_814 = vector.extract %slice3A_813[0] : i32 from vector<1xi32>
      %mul3A_815 = vector.broadcast %squeeze3A_814 : i32 to vector<16xi32>
      %mul3A_816 = arith.muli %broadcast_in_dim3A_812, %mul3A_815 : vector<16xi32>
      %add3A_817 = arith.constant 192 : i32
      %add3A_818 = arith.addi %mul3A_254, %add3A_817 : i32
      %add3A_819 = vector.broadcast %add3A_818 : i32 to vector<16xi32>
      %add3A_820 = arith.addi %add3A_819, %iota3A : vector<16xi32>
      %gather3A_821 = tpu.vector_load_idx %arg12[%add3A_820, %mul3A_810] : memref<768x128xf32, #tpu.memory_space<vmem>>[vector<16xi32>, vector<16xi32>], vector<16xf32>,
      %add3A_822 = vector.broadcast %add3A_818 : i32 to vector<16xi32>
      %add3A_823 = arith.addi %add3A_822, %add3A_116 : vector<16xi32>
      %gather3A_824 = tpu.vector_load_idx %arg12[%add3A_823, %mul3A_810] : memref<768x128xf32, #tpu.memory_space<vmem>>[vector<16xi32>, vector<16xi32>], vector<16xf32>,
      %add3A_825 = arith.constant 704 : i32
      %add3A_826 = vector.broadcast %add3A_825 : i32 to vector<16xi32>
      %add3A_827 = arith.addi %add3A_826, %iota3A : vector<16xi32>
      %gather3A_828 = tpu.vector_load_idx %arg12[%add3A_827, %mul3A_816] : memref<768x128xf32, #tpu.memory_space<vmem>>[vector<16xi32>, vector<16xi32>], vector<16xf32>,
      %add3A_829 = arith.constant 704 : i32
      %add3A_830 = vector.broadcast %add3A_829 : i32 to vector<16xi32>
      %add3A_831 = arith.addi %add3A_830, %add3A_116 : vector<16xi32>
      %gather3A_832 = tpu.vector_load_idx %arg12[%add3A_831, %mul3A_816] : memref<768x128xf32, #tpu.memory_space<vmem>>[vector<16xi32>, vector<16xi32>], vector<16xf32>,
      %mul3A_833 = arith.mulf %gather3A_821, %gather3A_828 : vector<16xf32>
      %mul3A_834 = arith.mulf %gather3A_824, %gather3A_832 : vector<16xf32>
      %add3A_835 = arith.addf %mul3A_833, %mul3A_834 : vector<16xf32>
      %reduce_sum3A_836 = arith.constant true
      %reduce_sum3A_837 = vector.broadcast %reduce_sum3A_836 : i1 to vector<16xi1>
      %reduce_sum3A_838 = tpu.scan <sum>, %add3A_835 masked %reduce_sum3A_837 : vector<16xf32>, vector<16xi1> -> vector<16xf32>
      %reduce_sum3A_839 = vector.extract %reduce_sum3A_838[15] : f32 from vector<16xf32>
      %add3A_840 = arith.constant 6 : i32
      %add3A_841 = arith.addi %mul3A_556, %add3A_840 : i32
      %eq3A_842 = vector.broadcast %add3A_841 : i32 to vector<16xi32>
      %eq3A_843 = arith.cmpi eq, %iota3A, %eq3A_842 : vector<16xi32>
      %add3A_844 = vector.broadcast %reduce_sum3A_839 : f32 to vector<16xf32>
      %add3A_845 = arith.addf %select_n3A_804, %add3A_844 : vector<16xf32>
      %select_n3A_846 = arith.select %eq3A_843, %add3A_845, %select_n3A_804 : vector<16xi1>, vector<16xf32>
      %broadcast_in_dim3A_847 = arith.constant 1 : i32
      %broadcast_in_dim3A_848 = vector.broadcast %broadcast_in_dim3A_847 : i32 to vector<16xi32>
      %slice3A_849 = vector.extract_strided_slice %and3A_241 {offsets = [7], sizes = [1], strides = [1]} : vector<16xi32> to vector<1xi32>
      %squeeze3A_850 = vector.extract %slice3A_849[0] : i32 from vector<1xi32>
      %mul3A_851 = vector.broadcast %squeeze3A_850 : i32 to vector<16xi32>
      %mul3A_852 = arith.muli %broadcast_in_dim3A_848, %mul3A_851 : vector<16xi32>
      %broadcast_in_dim3A_853 = arith.constant 1 : i32
      %broadcast_in_dim3A_854 = vector.broadcast %broadcast_in_dim3A_853 : i32 to vector<16xi32>
      %slice3A_855 = vector.extract_strided_slice %and3A_244 {offsets = [7], sizes = [1], strides = [1]} : vector<16xi32> to vector<1xi32>
      %squeeze3A_856 = vector.extract %slice3A_855[0] : i32 from vector<1xi32>
      %mul3A_857 = vector.broadcast %squeeze3A_856 : i32 to vector<16xi32>
      %mul3A_858 = arith.muli %broadcast_in_dim3A_854, %mul3A_857 : vector<16xi32>
      %add3A_859 = arith.constant 224 : i32
      %add3A_860 = arith.addi %mul3A_254, %add3A_859 : i32
      %add3A_861 = vector.broadcast %add3A_860 : i32 to vector<16xi32>
      %add3A_862 = arith.addi %add3A_861, %iota3A : vector<16xi32>
      %gather3A_863 = tpu.vector_load_idx %arg12[%add3A_862, %mul3A_852] : memref<768x128xf32, #tpu.memory_space<vmem>>[vector<16xi32>, vector<16xi32>], vector<16xf32>,
      %add3A_864 = vector.broadcast %add3A_860 : i32 to vector<16xi32>
      %add3A_865 = arith.addi %add3A_864, %add3A_116 : vector<16xi32>
      %gather3A_866 = tpu.vector_load_idx %arg12[%add3A_865, %mul3A_852] : memref<768x128xf32, #tpu.memory_space<vmem>>[vector<16xi32>, vector<16xi32>], vector<16xf32>,
      %add3A_867 = arith.constant 736 : i32
      %add3A_868 = vector.broadcast %add3A_867 : i32 to vector<16xi32>
      %add3A_869 = arith.addi %add3A_868, %iota3A : vector<16xi32>
      %gather3A_870 = tpu.vector_load_idx %arg12[%add3A_869, %mul3A_858] : memref<768x128xf32, #tpu.memory_space<vmem>>[vector<16xi32>, vector<16xi32>], vector<16xf32>,
      %add3A_871 = arith.constant 736 : i32
      %add3A_872 = vector.broadcast %add3A_871 : i32 to vector<16xi32>
      %add3A_873 = arith.addi %add3A_872, %add3A_116 : vector<16xi32>
      %gather3A_874 = tpu.vector_load_idx %arg12[%add3A_873, %mul3A_858] : memref<768x128xf32, #tpu.memory_space<vmem>>[vector<16xi32>, vector<16xi32>], vector<16xf32>,
      %mul3A_875 = arith.mulf %gather3A_863, %gather3A_870 : vector<16xf32>
      %mul3A_876 = arith.mulf %gather3A_866, %gather3A_874 : vector<16xf32>
      %add3A_877 = arith.addf %mul3A_875, %mul3A_876 : vector<16xf32>
      %reduce_sum3A_878 = arith.constant true
      %reduce_sum3A_879 = vector.broadcast %reduce_sum3A_878 : i1 to vector<16xi1>
      %reduce_sum3A_880 = tpu.scan <sum>, %add3A_877 masked %reduce_sum3A_879 : vector<16xf32>, vector<16xi1> -> vector<16xf32>
      %reduce_sum3A_881 = vector.extract %reduce_sum3A_880[15] : f32 from vector<16xf32>
      %add3A_882 = arith.constant 7 : i32
      %add3A_883 = arith.addi %mul3A_556, %add3A_882 : i32
      %eq3A_884 = vector.broadcast %add3A_883 : i32 to vector<16xi32>
      %eq3A_885 = arith.cmpi eq, %iota3A, %eq3A_884 : vector<16xi32>
      %add3A_886 = vector.broadcast %reduce_sum3A_881 : f32 to vector<16xf32>
      %add3A_887 = arith.addf %select_n3A_846, %add3A_886 : vector<16xf32>
      %select_n3A_888 = arith.select %eq3A_885, %add3A_887, %select_n3A_846 : vector<16xi1>, vector<16xf32>
      %and3A_889 = arith.constant 1 : i32
      %and3A_890 = arith.andi %scan3A_230, %and3A_889 : i32
      %eq3A_891 = arith.constant 1 : i32
      %eq3A_892 = arith.cmpi eq, %and3A_890, %eq3A_891 : i32
      %convert_element_type3A_893 = arith.extui %eq3A_892 : i1 to i32
      %cond3A_894 = arith.constant 0 : i32
      %cond3A_895 = arith.cmpi ne, %convert_element_type3A_893, %cond3A_894 : i32
      scf.if %cond3A_895 {
        %shift_right_arithmetic3A_903 = arith.constant 1 : i32
        %shift_right_arithmetic3A_904 = arith.shrsi %scan3A_230, %shift_right_arithmetic3A_903 : i32
        %mul3A_905 = arith.constant 16 : i32
        %mul3A_906 = arith.muli %shift_right_arithmetic3A_904, %mul3A_905 : i32
        %add3A_907 = arith.addf %select_n3A_888, %get3A_113 : vector<16xf32>
        %get3A_908 = arith.index_cast %mul3A_906 : i32 to index
        %get3A_909 = tpu.vector_load %arg13[%get3A_908] {strides = array<i32>} : memref<512xf32, #tpu.memory_space<vmem>>, vector<16xf32>,
        %add3A_910 = arith.addf %add3A_907, %get3A_909 : vector<16xf32>
        %get3A_911 = arith.index_cast %mul3A_906 : i32 to index
        %get3A_912 = tpu.vector_load %arg14[%get3A_911] {strides = array<i32>} : memref<512xf32, #tpu.memory_space<vmem>>, vector<16xf32>,
        %add3A_913 = arith.addf %add3A_910, %get3A_912 : vector<16xf32>
        %swap3A = arith.index_cast %mul3A_906 : i32 to index
        %swap3A_914 = tpu.vector_load %arg16[%swap3A] {strides = array<i32>} : memref<512xf32, #tpu.memory_space<vmem>>, vector<16xf32>,
        tpu.vector_store %arg16[%swap3A], %add3A_913 {strides = array<i32>} : memref<512xf32, #tpu.memory_space<vmem>>, vector<16xf32>,
      } else {
      }
      %and3A_896 = arith.constant 1 : i32
      %and3A_897 = arith.andi %scan3A_230, %and3A_896 : i32
      %eq3A_898 = arith.constant 1 : i32
      %eq3A_899 = arith.cmpi eq, %and3A_897, %eq3A_898 : i32
      %broadcast_in_dim3A_900 = arith.constant 0.000000e+00 : f32
      %broadcast_in_dim3A_901 = vector.broadcast %broadcast_in_dim3A_900 : f32 to vector<16xf32>
      %select_n3A_902 = arith.select %eq3A_899, %broadcast_in_dim3A_901, %select_n3A_888 : vector<16xf32>
      scf.yield %select_n3A_902 : vector<16xf32>
    }
    %scan3A_229 = arith.constant 64 : i32
    "tpu.region"() ({
      %run_scoped3A = tpu.sem_alloc : memref<!tpu.dma_semaphore, #tpu.memory_space<semaphore_mem>>
      %dma_start3A_230 = tpu.memref_slice %arg9[%mul3A_2] : memref<16384xf32, #tpu.memory_space<hbm>> -> memref<512xf32, #tpu.memory_space<hbm>>
      %dma_start3A_231 = tpu.memref_slice %arg9[%mul3A_2] : memref<16384xf32, #tpu.memory_space<hbm>> -> memref<512xf32, #tpu.memory_space<hbm>>
      tpu.enqueue_dma source(%arg16 : memref<512xf32, #tpu.memory_space<vmem>>) target(%dma_start3A_231 : memref<512xf32, #tpu.memory_space<hbm>>) target_semaphore(%run_scoped3A : memref<!tpu.dma_semaphore, #tpu.memory_space<semaphore_mem>>)
      %dma_wait3A_232 = tpu.memref_slice %arg9[%mul3A_2] : memref<16384xf32, #tpu.memory_space<hbm>> -> memref<512xf32, #tpu.memory_space<hbm>>
      %dma_wait3A_233 = tpu.memref_slice %arg9[%mul3A_2] : memref<16384xf32, #tpu.memory_space<hbm>> -> memref<512xf32, #tpu.memory_space<hbm>>
      tpu.wait_dma2 semaphore(%run_scoped3A : memref<!tpu.dma_semaphore, #tpu.memory_space<semaphore_mem>>) src(%arg16 : memref<512xf32, #tpu.memory_space<vmem>>) dst(%dma_wait3A_233 : memref<512xf32, #tpu.memory_space<hbm>>)
      tpu.yield
    }) : () -> ()
    return
  }
}

</mosaic_0001>

<sc_bundles>
// kernel: kernel.3.cloned.1.call-start
scs
__scs_entry_jumppad:
0x0: {  	(pc) =	sbr.rel $0x88, $3  }
0x1: {  	(tag) =	ssettag $0x0;
	lr =	simm.s32 $0x1  }
0x2: {  	[smem:$0x3F9A] =	sst lr;
	_ =	strace $0xD0000000  }
0x3: {  	_ = 	snop  }
0x4: {  	_ = 	snop  }
0x5: {  	_ = 	snop  }
0x6: {  	_ = 	snop  }
0x7: {  	_ = 	snop  }
__scs_overlays_trampoline_lowered:
0x8: {  	[smem:$0x3FA9] =	sst s0  }
0x9: {  	[smem:$0x3FAA] =	sst s1  }
0xa: {  	[smem:$0x3FAB] =	sst s2  }
0xb: {  	[smem:$0x3FAC] =	sst s3  }
0xc: {  	[smem:$0x3FAD] =	sst s4  }
0xd: {  	[smem:$0x3FAE] =	sst s5  }
0xe: {  	[smem:$0x3FAF] =	sst s6  }
0xf: {  	[smem:$0x3FB0] =	sst s7  }
0x10: {  	[smem:$0x3FB1] =	sst s8  }
0x11: {  	[smem:$0x3FB2] =	sst s9;
	s0 =	simm.s32 @!p0 $0x0  }
0x12: {  	s1 =	sld [smem:$0x3F98];
	s0 =	simm.s32 @p0 $0x1  }
0x13: {  	[smem:$0x3FB3] =	sst s0;
	s0 =	simm.s32 @!p1 $0x0  }
0x14: {  	s2 =	sld [smem:$0x3F97];
	s0 =	simm.s32 @p1 $0x1  }
0x15: {  	[smem:$0x3FB4] =	sst s0;
	s0 =	simm.s32 @!p2 $0x0  }
0x16: {  	s3 =	sld [smem:$0x3FDB];
	s0 =	simm.s32 @p2 $0x1  }
0x17: {  	s4 =	simm.s32 $0x1BF5;
	[smem:$0x3FB6] =	sst s0  }
0x18: {  	s0 =	sld [smem:$0x3F99];
	_ =	swait.ge [sflag:s4], $0x0  }
0x19: {  	s7 =	sld [smem:$0x3F9A]  }
0x1a: {  	s8 =	sadd.s32 $0xFFFFE003, lr  }
0x1b: {  	s9 =	sadd.s32 $0xFFFFFEF7, lr;
	s5 =	simm.s32 $0xFFFFFFFF;
	p2 =	slt.u32 s8, $0xFFFFF086  }
0x1c: {  	p1 =	slt.u32 s9, $0xF7A;
	s5 =	simm.s32 @!p2 $0x0  }
0x1d: {  	s5 =	simm.s32 @p1 $0x1;
	p0 =	seq.s32 s7, s2  }
0x1e: {  	s7 =	smul.u32 @!p0 $0xF7A, s2;
	p2 =	seq.s32 @!p0 s5, $0x0  }
0x1f: {  	s9 =	smul.u32 $0xF7A, s1;
	s8 =	simm.s32 @!p0 $0x1BF5;
	p2 =	por !p2, p0  }
0x20: {  	[sflag:s8] =	ssyncset.s32 @!p0 $0xFFFFF086;
	s6 =	sadd.s32 @!p0 s3, s7;
	s7 =	simm.s32 @!p0 $0x108  }
0x21: {  	s3 =	sadd.s32 s3, s9;
	s6 =	sadd.s32 @!p0 $0x88, s6;
	s7 =	simm.s32 @p2 $0x1082  }
0x22: {  	[simem:s7], [sflag:s8] =	dma.local @!p0 [hbm:s6], $0xF7A  }
0x23: {  	s9 =	sor.u32 $0xD0000000, s2;
	s6 =	simm.s32 $0x108;
	_ =	swait.ge @!p0 [sflag:s8], $0x0  }
0x24: {  	s3 =	sadd.s32 $0x88, s3;
	s6 =	simm.s32 @!p1 $0x1082;
	[sflag:s4] =	ssyncset.s32 $0xFFFFF086  }
0x25: {  	[simem:s6], [sflag:s4] =	dma.local [hbm:s3], $0xF7A  }
0x26: {  	[smem:$0x3F9A] =	sst s1;
	(tag) =	ssettag s2;
	_ =	strace s9  }
0x27: {  	s1 =	sld [smem:$0x3FAA]  }
0x28: {  	s2 =	sld [smem:$0x3FAB]  }
0x29: {  	s4 =	sld [smem:$0x3FAD]  }
0x2a: {  	p0 =	seq.s32 s5, $0x0;
	s5 =	sld [smem:$0x3FAE]  }
0x2b: {  	s6 =	sld [smem:$0x3FAF]  }
0x2c: {  	s7 =	sld [smem:$0x3FB0]  }
0x2d: {  	s3 =	simm.s32 $0x108;
	s8 =	sld [smem:$0x3FB1]  }
0x2e: {  	s3 =	simm.s32 @!p0 $0x1082;
	s9 =	sld [smem:$0x3FB2]  }
0x2f: {  	lr =	sadd.s32 s0, s3;
	s0 =	sld [smem:$0x3FA9]  }
0x30: {  	s3 =	sld [smem:$0x3FAC]  }
0x31: {  	[smem:$0x3FB5] =	sst s10  }
0x32: {  	s10 =	sld [smem:$0x3FB3];
	_ =	sdelay $0x3  }
0x33: {  	p0 =	seq.s32 s10, $0x1;
	s10 =	sld [smem:$0x3FB5];
	_ =	sdelay $0x3  }
0x34: {  	[smem:$0x3FB5] =	sst s10  }
0x35: {  	s10 =	sld [smem:$0x3FB4];
	_ =	sdelay $0x3  }
0x36: {  	p1 =	seq.s32 s10, $0x1;
	s10 =	sld [smem:$0x3FB5];
	_ =	sdelay $0x3  }
0x37: {  	[smem:$0x3FB5] =	sst s10  }
0x38: {  	s10 =	sld [smem:$0x3FB6]  }
0x39: {  	_ = 	snop;
	(pc) =	sbr.ind lr, $3  }
0x3a: {  	_ = 	snop  }
0x3b: {  	_ = 	snop  }
0x3c: {  	p2 =	seq.s32 s10, $0x1;
	s10 =	sld [smem:$0x3FB5]  }
0x3d: {  	_ =	shalt  }
0x3e: {  	_ =	shalt  }
0x3f: {  	_ =	shalt  }
0x40: {  	_ =	shalt  }
0x41: {  	_ =	shalt  }
0x42: {  	_ =	shalt  }
0x43: {  	_ =	shalt  }
0x44: {  	_ =	shalt  }
0x45: {  	_ =	shalt  }
0x46: {  	_ =	shalt  }
0x47: {  	_ =	shalt  }
0x48: {  	_ =	shalt  }
0x49: {  	_ =	shalt  }
0x4a: {  	_ =	shalt  }
0x4b: {  	_ =	shalt  }
0x4c: {  	_ =	shalt  }
0x4d: {  	_ =	shalt  }
0x4e: {  	_ =	shalt  }
0x4f: {  	_ =	shalt  }
0x50: {  	_ =	shalt  }
0x51: {  	_ =	shalt  }
0x52: {  	_ =	shalt  }
0x53: {  	_ =	shalt  }
0x54: {  	_ =	shalt  }
0x55: {  	_ =	shalt  }
0x56: {  	_ =	shalt  }
0x57: {  	_ =	shalt  }
0x58: {  	_ =	shalt  }
0x59: {  	_ =	shalt  }
0x5a: {  	_ =	shalt  }
0x5b: {  	_ =	shalt  }
0x5c: {  	_ =	shalt  }
0x5d: {  	_ =	shalt  }
0x5e: {  	_ =	shalt  }
0x5f: {  	_ =	shalt  }
0x60: {  	_ =	shalt  }
0x61: {  	_ =	shalt  }
0x62: {  	_ =	shalt  }
0x63: {  	_ =	shalt  }
0x64: {  	_ =	shalt  }
0x65: {  	_ =	shalt  }
0x66: {  	_ =	shalt  }
0x67: {  	_ =	shalt  }
0x68: {  	_ =	shalt  }
0x69: {  	_ =	shalt  }
0x6a: {  	_ =	shalt  }
0x6b: {  	_ =	shalt  }
0x6c: {  	_ =	shalt  }
0x6d: {  	_ =	shalt  }
0x6e: {  	_ =	shalt  }
0x6f: {  	_ =	shalt  }
0x70: {  	_ =	shalt  }
0x71: {  	_ =	shalt  }
0x72: {  	_ =	shalt  }
0x73: {  	_ =	shalt  }
0x74: {  	_ =	shalt  }
0x75: {  	_ =	shalt  }
0x76: {  	_ =	shalt  }
0x77: {  	_ =	shalt  }
0x78: {  	_ =	shalt  }
0x79: {  	_ =	shalt  }
0x7a: {  	_ =	shalt  }
0x7b: {  	_ =	shalt  }
0x7c: {  	_ =	shalt  }
0x7d: {  	_ =	shalt  }
0x7e: {  	_ =	shalt  }
0x7f: {  	_ =	shalt  }
0x80: {  	_ =	shalt  }
0x81: {  	_ =	shalt  }
0x82: {  	_ =	shalt  }
0x83: {  	_ =	shalt  }
0x84: {  	_ =	shalt  }
0x85: {  	_ =	shalt  }
0x86: {  	_ =	shalt  }
0x87: {  	_ =	shalt  }
.Lfunc_end0:
.L_simem_size_0:
called_computation_lowered:
.L_overlay_start_0:
0x88: {  	s2 =	sld [smem:$0x3FD9]  }
0x89: {  	s3 =	sld [smem:$0x3FFE];
	_ =	sdelay $0x1  }
0x8a: {  	s1 =	srdreg.scid  }
0x8b: {  	s0 =	sand.u32 $0x1, s1  }
0x8c: {  	s17 =	sshll.u32 s0, $0xA;
	s2 =	sadd.s32 s3, s2  }
0x8d: {  	s2 =	sadd.s32 s2, s17  }
0x8e: {  	[smem:$0x3FC1] =	sst s2  }
0x8f: {  	_ = 	snop  }
0x90: {  	s2 =	sld [smem:$0x3FC9]  }
0x91: {  	s18 =	sld [smem:$0x3FC8]  }
0x92: {  	s4 =	sld [smem:$0x3FC7]  }
0x93: {  	s5 =	sld [smem:$0x3FC6]  }
0x94: {  	s6 =	sld [smem:$0x3FD0];
	(tm) =	ssettm $0x1  }
0x95: {  	s7 =	sld [smem:$0x3FFB];
	_ =	sdelay $0x3  }
0x96: {  	_ =	strace s7  }
0x97: {  	s7 =	sld [smem:$0x3FFC];
	_ =	sdelay $0x3  }
0x98: {  	_ =	strace s7  }
0x99: {  	s7 =	sld [smem:$0x3FFD];
	_ =	sdelay $0x3  }
0x9a: {  	_ =	strace s7  }
0x9b: {  	_ =	strace $0x8FFFFFFF  }
0x9c: {  	s19 =	sld [smem:$0x3FDB];
	_ =	sdelay $0x1  }
0x9d: {  	s8 =	simm.s32 $_scs_section_size  }
0x9e: {  	s9 =	simm.s32 $_size__tile_overlayer_lowered;
	s10 =	simm.s32 $_tile_overlayer_lowered  }
0x9f: {  	s22 =	simm.s32 $0x1BFF;
	s21 =	sshll.u32 s10, $0x1;
	s7 =	sadd.s32 s8, s19  }
0xa0: {  	s11 =	simm.s32 $0x0;
	s20 =	sshll.u32 s9, $0x1;
	s9 =	sadd.s32 s21, s7  }
0xa1: {  	[timem:s11], [sflag:s22] =	dma.local [hbm:s9], s20  }
0xa2: {  	_ =	swait.ge [sflag:s22], s20  }
0xa3: {  	s8 =	ssub.s32 $0x0, s20;
	[sflag:s22] =	ssyncset.done $0x0  }
0xa4: {  	[sflag:s22] =	ssyncadd.s32 s8;
	_ =	sdelay $0x1  }
0xa5: {  	s23 =	simm.s32 $0x1B8B  }
0xa6: {  	_ =	swait.ge [sflag:s23], $0x1  }
0xa7: {  	[sflag:s23] =	ssyncset.done $0x0  }
0xa8: {  	s25 =	simm.s32 $0x1B8E;
	s24 =	sld [smem:$0x3FFE];
	[sflag:s23] =	ssyncadd.s32 $0xFFFFFFFF  }
0xa9: {  	s26 =	simm.s32 $execute0_lowered;
	[smem:$0x3FD2] =	sst s25  }
0xaa: {  	s9 =	sshll.u32 s26, $0x1;
	_ =	strace $0x80000046;
	[dreg:$0x1] =	wrdreg $0xFFFFFFFF  }
0xab: {  	s28 =	simm.s32 $_size_execute0_lowered;
	s7 =	sadd.s32 s7, s9;
	[dreg:$0x0] =	wrdreg $0x0  }
0xac: {  	s9 =	sshll.u32 s28, $0x1;
	[dreg:$0x2] =	wrdreg s7  }
0xad: {  	[dreg:$0x3] =	wrdreg s9  }
0xae: {  	[dreg:$0x4] =	wrdreg $0xC0  }
0xaf: {  	_ =	task [dreg:s11], $0x5FFFF  }
0xb0: {  	[dreg:$0x1] =	wrdreg $0xFFFFFFFF  }
0xb1: {  	[dreg:$0x0] =	wrdreg $0x60  }
0xb2: {  	[dreg:$0x2] =	wrdreg s2  }
0xb3: {  	[dreg:$0x3] =	wrdreg s18  }
0xb4: {  	[dreg:$0x4] =	wrdreg s4  }
0xb5: {  	[dreg:$0x5] =	wrdreg s5  }
0xb6: {  	[dreg:$0x6] =	wrdreg s24  }
0xb7: {  	[dreg:$0x7] =	wrdreg s6  }
0xb8: {  	[dreg:$0x8] =	wrdreg $0x9  }
0xb9: {  	_ =	task.clear_ibuf [dreg:s11], $0x9FFFF;
	_ =	strace $0x90000046  }
0xba: {  	s29 =	simm.s32 $0x9;
	_ =	strace $0x80000048  }
0xbb: {  	_ =	swait.ge [sflag:s29], $0x1  }
0xbc: {  	[sflag:s29] =	ssyncadd.s32 $0xFFFFFFFF  }
0xbd: {  	_ =	strace $0x90000048  }
0xbe: {  	_ =	sfence  }
0xbf: {  	s30 =	sld [smem:$0x0];
	_ =	sdelay $0x2  }
0xc0: {  	s31 =	sshll.u32 s1, $0xD;
	s1 =	sshrl.u32 s1, $0x2  }
0xc1: {  	s3 =	sand.u32 $0x4000, s31;
	s1 =	sadd.s32 s1, s30  }
0xc2: {  	s0 =	sor.u32 s3, s0;
	s1 =	sshll.u32 s1, $0x11  }
0xc3: {  	s0 =	sor.u32 s1, s0  }
0xc4: {  	s0 =	sadd.s32 $0x8F2B, s0  }
0xc5: {  	[sflag:s0] =	ssyncadd.remote.s32 $0x1  }
0xc6: {  	_ =	sfence.sel $0xFFFF  }
0xc7: {  	[dreg:$0x0] =	wrdreg $0xFFFFFFFF;
	(pc) =	sbr.abs _section_cstart, $3  }
0xc8: {  	[dreg:$0x1] =	wrdreg $0xFFFFFFFF  }
0xc9: {  	_ =	task.clear_ibuf [dreg:s11], $0x2FFFF;
	_ =	strace $0x9FFFFFFF  }
0xca: {  	(tm) =	ssettm $0x7FFFFFFF  }
0xcb: {  	_ =	shalt  }
tec
execute0_lowered:
.L_overlay_start_1:
0x0: {  	(tag) =	ssettag $0x1  }
0x1: {  	s0 =	rddreg [dreg:$0x0]  }
0x2: {  	s3 =	rddreg [dreg:$0x1]  }
0x3: {  	s1 =	rddreg [dreg:$0x2]  }
0x4: {  	s2 =	rddreg [dreg:$0x3]  }
0x5: {  	s6 =	rddreg [dreg:$0x5];
	s4 =	simm.s32 $0x0;
	s5 =	srdreg.scid  }
0x6: {  	s8 =	stileid.u32;
	s21 =	simm.s32 $0x10500;
	[dreg:$0x7] =	wrdreg s2  }
0x7: {  	s22 =	simm.s32 $0x11500;
	s23 =	simm.s32 $0x12500;
	s2 =	rddreg [dreg:$0x4]  }
0x8: {  	s24 =	simm.s32 $0x13500;
	s25 =	simm.s32 $0x14500;
	[smem:$0x7FF] =	sst s4  }
0x9: {  	s26 =	simm.s32 $0x15500;
	_ =	strace $0x80000047;
	[dreg:$0x8] =	wrdreg s21  }
0xa: {  	s28 =	simm.s32 $0x16500;
	s30 =	simm.s32 $0x17500;
	[dreg:$0x9] =	wrdreg s22  }
0xb: {  	s29 =	simm.s32 $0x2;
	s31 =	simm.s32 $0x0;
	[dreg:$0xa] =	wrdreg s23  }
0xc: {  	s5 =	sand.u32 $0x1, s5;
	s8 =	sshll.u32 s8, $0x7;
	[dreg:$0xb] =	wrdreg s24  }
0xd: {  	s7 =	ssub.s32 $0x2, s5;
	s9 =	sshll.u32 s5, $0x6;
	[dreg:$0xc] =	wrdreg s25  }
0xe: {  	s5 =	sadd.s32 $0x1EA00, s2;
	s14 =	sadd.s32 $0x3D400, s2;
	[dreg:$0xd] =	wrdreg s26  }
0xf: {  	s21 =	simm.s32 $0x380;
	s22 =	simm.s32 $0x180;
	[dreg:$0xe] =	wrdreg s28  }
0x10: {  	s23 =	simm.s32 $0x400;
	[dreg:$0xf] =	wrdreg s30;
	s24 =	simm.s32 $0x1  }
0x11: {  	v0 =	vlaneseq.u32;
	s25 =	simm.s32 $0x7A1400;
	s26 =	simm.s32 $0x500;
	s10 =	sshrl.u32 s7, $0x1  }
0x12: {  	v1 =	vmul.u32 $0x80, v0;
	s8 =	sor.u32 s9, s8;
	[dreg:$0x10] =	wrdreg s14;
	s7 =	ssub.s32 s7, s10  }
0x13: {  	s15 =	sor.u32 $0x10, s8;
	s16 =	sadd.s32 s0, s8;
	s17 =	sadd.s32 s3, s8  }
0x14: {  	v2 =	vor.u32 $0x800, v1;
	v3 =	vor.u32 $0x10000, v1;
	s19 =	sor.u32 $0x20, s8;
	s20 =	sor.u32 $0x30, s8;
	[dreg:$0x11] =	wrdreg s16  }
0x15: {  	v4 =	vor.u32 $0x10800, v1;
	v5 =	vor.u32 $0x11000, v1;
	v6 =	vor.u32 $0x11800, v1;
	[dreg:$0x12] =	wrdreg s17;
	s18 =	sadd.s32 s0, s15;
	s9 =	sadd.s32 s3, s15  }
0x16: {  	v7 =	vor.u32 $0x12000, v1;
	v8 =	vor.u32 $0x12800, v1;
	v9 =	vor.u32 $0x13000, v1;
	s11 =	sadd.s32 s0, s19;
	s13 =	sadd.s32 s0, s20;
	[dreg:$0x13] =	wrdreg s18  }
0x17: {  	v10 =	vor.u32 $0x13800, v1;
	v11 =	vor.u32 $0x14000, v1;
	v12 =	vor.u32 $0x14800, v1;
	s14 =	sadd.s32 s3, s20;
	s15 =	sadd.s32 s6, s8;
	[dreg:$0x14] =	wrdreg s9  }
0x18: {  	v13 =	vor.u32 $0x15000, v1;
	v14 =	vor.u32 $0x15800, v1;
	v15 =	vor.u32 $0x16000, v1;
	s16 =	smax.u32 s7, $0x1;
	[dreg:$0x15] =	wrdreg s11;
	s9 =	sadd.s32 s3, s19  }
0x19: {  	v16 =	vor.u32 $0x16800, v1;
	v17 =	vor.u32 $0x17000, v1;
	v18 =	vor.u32 $0x17800, v1;
	s17 =	simm.s32 $0x3;
	s18 =	simm.s32 $0x80;
	[dreg:$0x16] =	wrdreg s9  }
.LBB2_1:
0x1a: {  	s0 =	rddreg [dreg:$0x11]  }
0x1b: {  	[tilespmem:s4], [sflag:$0x3] =	stream.linear.gather [hbm4b:s0+s4], $0x80, $0x38;
	[tilespmem:$0x18B80] =	vst v63  }
0x1c: {  	_ =	swait.ge [sflag:s17], $0x80  }
0x1d: {  	[sflag:s17] =	ssyncset.done $0x0  }
0x1e: {  	s0 =	simm.s32 $0x280;
	s3 =	rddreg [dreg:$0x12];
	[sflag:s17] =	ssyncadd.s32 $0xFFFFFF80  }
0x1f: {  	[tilespmem:s0], [sflag:$0x3] =	stream.linear.gather [hbm4b:s3+s4], $0x80, $0x38;
	[tilespmem:$0x18B80] =	vst v63  }
0x20: {  	_ =	swait.ge [sflag:s17], $0x80  }
0x21: {  	[sflag:s17] =	ssyncset.done $0x0  }
0x22: {  	s6 =	rddreg [dreg:$0x13];
	[sflag:s17] =	ssyncadd.s32 $0xFFFFFF80  }
0x23: {  	[tilespmem:s18], [sflag:$0x3] =	stream.linear.gather [hbm4b:s6+s4], $0x80, $0x38;
	[tilespmem:$0x18B80] =	vst v63  }
0x24: {  	_ =	swait.ge [sflag:s17], $0x80  }
0x25: {  	[sflag:s17] =	ssyncset.done $0x0  }
0x26: {  	s6 =	simm.s32 $0x300;
	s7 =	rddreg [dreg:$0x14];
	[sflag:s17] =	ssyncadd.s32 $0xFFFFFF80  }
0x27: {  	[tilespmem:s6], [sflag:$0x3] =	stream.linear.gather [hbm4b:s7+s4], $0x80, $0x38;
	[tilespmem:$0x18B80] =	vst v63  }
0x28: {  	_ =	swait.ge [sflag:s17], $0x80  }
0x29: {  	[sflag:s17] =	ssyncset.done $0x0  }
0x2a: {  	s7 =	simm.s32 $0x100;
	s8 =	rddreg [dreg:$0x15];
	[sflag:s17] =	ssyncadd.s32 $0xFFFFFF80  }
0x2b: {  	[tilespmem:s7], [sflag:$0x3] =	stream.linear.gather [hbm4b:s8+s4], $0x80, $0x38;
	[tilespmem:$0x18B80] =	vst v63  }
0x2c: {  	_ =	swait.ge [sflag:s17], $0x80  }
0x2d: {  	[sflag:s17] =	ssyncset.done $0x0  }
0x2e: {  	s9 =	rddreg [dreg:$0x16];
	[sflag:s17] =	ssyncadd.s32 $0xFFFFFF80  }
0x2f: {  	[tilespmem:s21], [sflag:$0x3] =	stream.linear.gather [hbm4b:s9+s4], $0x80, $0x38;
	[tilespmem:$0x18B80] =	vst v63  }
0x30: {  	_ =	swait.ge [sflag:s17], $0x80  }
0x31: {  	[sflag:s17] =	ssyncset.done $0x0  }
0x32: {  	[sflag:s17] =	ssyncadd.s32 $0xFFFFFF80  }
0x33: {  	[tilespmem:s22], [sflag:$0x3] =	stream.linear.gather [hbm4b:s13+s4], $0x80, $0x38;
	[tilespmem:$0x18B80] =	vst v63  }
0x34: {  	_ =	swait.ge [sflag:s17], $0x80  }
0x35: {  	[sflag:s17] =	ssyncset.done $0x0  }
0x36: {  	[sflag:s17] =	ssyncadd.s32 $0xFFFFFF80  }
0x37: {  	[tilespmem:s23], [sflag:$0x3] =	stream.linear.gather [hbm4b:s14+s4], $0x80, $0x38;
	[tilespmem:$0x18B80] =	vst v63  }
0x38: {  	_ =	swait.ge [sflag:s17], $0x80  }
0x39: {  	[sflag:s17] =	ssyncset.done $0x0  }
0x3a: {  	s8 =	simm.s32 $0x18900;
	s10 =	rddreg [dreg:$0x10];
	[sflag:s17] =	ssyncadd.s32 $0xFFFFFF80  }
0x3b: {  	[tilespmem:s8], [sflag:$0x3] =	stream.linear.gather [hbm4b:s10+s4], $0x80, $0x38;
	[tilespmem:$0x18B80] =	vst v63  }
0x3c: {  	_ =	swait.ge [sflag:s17], $0x80  }
0x3d: {  	[sflag:s17] =	ssyncset.done $0x0  }
0x3e: {  	s11 =	simm.s32 $0x18500;
	[sflag:s17] =	ssyncadd.s32 $0xFFFFFF80  }
0x3f: {  	[tilespmem:s11], [sflag:$0x1] =	stream.indirect.gather [hbm4b:s2+s18], $0x1, s4, s18, $0xb8;
	[tilespmem:$0x18B80] =	vst v63  }
0x40: {  	s12 =	simm.s32 $0x18700  }
0x41: {  	[tilespmem:s12], [sflag:$0x1] =	stream.indirect.gather [hbm4b:s5+s18], $0x1, s0, s18, $0xb8;
	[tilespmem:$0x18B80] =	vst v63  }
0x42: {  	s19 =	simm.s32 $0x18580  }
0x43: {  	[tilespmem:s19], [sflag:$0x1] =	stream.indirect.gather [hbm4b:s2+s18], $0x1, s18, s18, $0xb8;
	[tilespmem:$0x18B80] =	vst v63  }
0x44: {  	s20 =	simm.s32 $0x18780  }
0x45: {  	[tilespmem:s20], [sflag:$0x1] =	stream.indirect.gather [hbm4b:s5+s18], $0x1, s6, s18, $0xb8;
	[tilespmem:$0x18B80] =	vst v63  }
0x46: {  	s8 =	simm.s32 $0x18600  }
0x47: {  	[tilespmem:s8], [sflag:$0x1] =	stream.indirect.gather [hbm4b:s2+s18], $0x1, s7, s18, $0xb8;
	[tilespmem:$0x18B80] =	vst v63  }
0x48: {  	s9 =	simm.s32 $0x18800  }
0x49: {  	[tilespmem:s9], [sflag:$0x1] =	stream.indirect.gather [hbm4b:s5+s18], $0x1, s21, s18, $0xb8;
	[tilespmem:$0x18B80] =	vst v63  }
0x4a: {  	s10 =	simm.s32 $0x18680  }
0x4b: {  	[tilespmem:s10], [sflag:$0x1] =	stream.indirect.gather [hbm4b:s2+s18], $0x1, s22, s18, $0xb8;
	[tilespmem:$0x18B80] =	vst v63  }
0x4c: {  	s11 =	simm.s32 $0x18880  }
0x4d: {  	[tilespmem:s11], [sflag:$0x1] =	stream.indirect.gather [hbm4b:s5+s18], $0x1, s23, s18, $0xb8;
	[tilespmem:$0x18B80] =	vst v63  }
0x4e: {  	_ =	swait.ge [sflag:s24], $0x80  }
0x4f: {  	[sflag:s24] =	ssyncset.done $0x0  }
0x50: {  	[sflag:s24] =	ssyncadd.s32 $0xFFFFFF80  }
0x51: {  	_ =	swait.ge [sflag:s24], $0x80  }
0x52: {  	[sflag:s24] =	ssyncset.done $0x0  }
0x53: {  	[sflag:s24] =	ssyncadd.s32 $0xFFFFFF80  }
0x54: {  	_ =	swait.ge [sflag:s24], $0x80  }
0x55: {  	[sflag:s24] =	ssyncset.done $0x0  }
0x56: {  	[sflag:s24] =	ssyncadd.s32 $0xFFFFFF80  }
0x57: {  	_ =	swait.ge [sflag:s24], $0x80  }
0x58: {  	[sflag:s24] =	ssyncset.done $0x0  }
0x59: {  	[sflag:s24] =	ssyncadd.s32 $0xFFFFFF80  }
0x5a: {  	_ =	swait.ge [sflag:s24], $0x80  }
0x5b: {  	[sflag:s24] =	ssyncset.done $0x0  }
0x5c: {  	[sflag:s24] =	ssyncadd.s32 $0xFFFFFF80  }
0x5d: {  	_ =	swait.ge [sflag:s24], $0x80  }
0x5e: {  	[sflag:s24] =	ssyncset.done $0x0  }
0x5f: {  	[sflag:s24] =	ssyncadd.s32 $0xFFFFFF80  }
0x60: {  	_ =	swait.ge [sflag:s24], $0x80  }
0x61: {  	[sflag:s24] =	ssyncset.done $0x0  }
0x62: {  	[sflag:s24] =	ssyncadd.s32 $0xFFFFFF80  }
0x63: {  	_ =	swait.ge [sflag:s24], $0x80  }
0x64: {  	[sflag:s24] =	ssyncset.done $0x0  }
0x65: {  	[sflag:s24] =	ssyncadd.s32 $0xFFFFFF80  }
0x66: {  	v19 =	vld [tilespmem:$0x0];
	_ =	sdelay $0x4  }
0x67: {  	v19 =	vand.u32 $0xFFFFFF80, v19  }
0x68: {  	v19 =	vadd.s32 s1, v19  }
0x69: {  	(v2sf) =	vpush v19, $0x0;
	_ =	sdelay $0x1  }
0x6a: {  	(v2sf) =	vpush v19, $0x1;
	_ =	sdelay $0x1  }
0x6b: {  	(v2sf) =	vpush v19, $0x2;
	_ =	sdelay $0x1  }
0x6c: {  	(v2sf) =	vpush v19, $0x3;
	_ =	sdelay $0x1  }
0x6d: {  	(v2sf) =	vpush v19, $0x4;
	_ =	sdelay $0x1  }
0x6e: {  	(v2sf) =	vpush v19, $0x5;
	_ =	sdelay $0x1  }
0x6f: {  	(v2sf) =	vpush v19, $0x6;
	_ =	sdelay $0x1  }
0x70: {  	(v2sf) =	vpush v19, $0x7  }
0x71: {  	s12 =	spop (v2sf)  }
0x72: {  	v19 =	vld [tilespmem:$0x18900];
	[tilespmem:s26], [sflag:$0x2] =	stream.strided.gather [hbm4b:s12+s23], $0x1000, s25, s23, $0x38  }
0x73: {  	s20 =	simm.s32 $0x1500;
	s19 =	spop (v2sf)  }
0x74: {  	[tilespmem:s20], [sflag:$0x2] =	stream.strided.gather [hbm4b:s19+s23], $0x1000, s25, s23, $0x38;
	[tilespmem:$0x18B80] =	vst v63  }
0x75: {  	s8 =	simm.s32 $0x2500;
	s7 =	spop (v2sf)  }
0x76: {  	[tilespmem:s8], [sflag:$0x2] =	stream.strided.gather [hbm4b:s7+s23], $0x1000, s25, s23, $0x38;
	[tilespmem:$0x18B80] =	vst v63  }
0x77: {  	s10 =	simm.s32 $0x3500;
	s9 =	spop (v2sf)  }
0x78: {  	[tilespmem:s10], [sflag:$0x2] =	stream.strided.gather [hbm4b:s9+s23], $0x1000, s25, s23, $0x38;
	[tilespmem:$0x18B80] =	vst v63  }
0x79: {  	s12 =	simm.s32 $0x4500;
	s11 =	spop (v2sf)  }
0x7a: {  	[tilespmem:s12], [sflag:$0x2] =	stream.strided.gather [hbm4b:s11+s23], $0x1000, s25, s23, $0x38;
	[tilespmem:$0x18B80] =	vst v63  }
0x7b: {  	s20 =	simm.s32 $0x5500;
	s19 =	spop (v2sf)  }
0x7c: {  	[tilespmem:s20], [sflag:$0x2] =	stream.strided.gather [hbm4b:s19+s23], $0x1000, s25, s23, $0x38;
	[tilespmem:$0x18B80] =	vst v63  }
0x7d: {  	s8 =	simm.s32 $0x6500;
	s7 =	spop (v2sf)  }
0x7e: {  	[tilespmem:s8], [sflag:$0x2] =	stream.strided.gather [hbm4b:s7+s23], $0x1000, s25, s23, $0x38;
	[tilespmem:$0x18B80] =	vst v63  }
0x7f: {  	s9 =	spop (v2sf);
	s10 =	simm.s32 $0x7500  }
0x80: {  	[tilespmem:s10], [sflag:$0x2] =	stream.strided.gather [hbm4b:s9+s23], $0x1000, s25, s23, $0x38;
	[tilespmem:$0x18B80] =	vst v63  }
0x81: {  	v20 =	vld [tilespmem:s0+$0x0];
	_ =	sdelay $0x4  }
0x82: {  	s11 =	rddreg [dreg:$0x7];
	v21 =	vand.u32 $0xFFFFFF80, v20  }
0x83: {  	v21 =	vadd.s32 s11, v21  }
0x84: {  	(v2sf) =	vpush v21, $0x0;
	_ =	sdelay $0x1  }
0x85: {  	(v2sf) =	vpush v21, $0x1;
	_ =	sdelay $0x1  }
0x86: {  	(v2sf) =	vpush v21, $0x2;
	_ =	sdelay $0x1  }
0x87: {  	(v2sf) =	vpush v21, $0x3;
	_ =	sdelay $0x1  }
0x88: {  	(v2sf) =	vpush v21, $0x4;
	_ =	sdelay $0x1  }
0x89: {  	(v2sf) =	vpush v21, $0x5;
	_ =	sdelay $0x1  }
0x8a: {  	(v2sf) =	vpush v21, $0x6;
	_ =	sdelay $0x1  }
0x8b: {  	(v2sf) =	vpush v21, $0x7  }
0x8c: {  	s6 =	simm.s32 $0x8;
	s12 =	rddreg [dreg:$0x8];
	s20 =	spop (v2sf)  }
0x8d: {  	v21 =	vld [tilespmem:s6+$0xFFFFFFF8];
	[tilespmem:s12], [sflag:$0x1] =	stream.strided.gather [hbm4b:s20+s23], $0x1000, s25, s23, $0x38  }
0x8e: {  	s19 =	rddreg [dreg:$0x9];
	s10 =	spop (v2sf)  }
0x8f: {  	[tilespmem:s19], [sflag:$0x1] =	stream.strided.gather [hbm4b:s10+s23], $0x1000, s25, s23, $0x38;
	[tilespmem:$0x18B80] =	vst v63  }
0x90: {  	s9 =	rddreg [dreg:$0xa];
	s12 =	spop (v2sf)  }
0x91: {  	[tilespmem:s9], [sflag:$0x1] =	stream.strided.gather [hbm4b:s12+s23], $0x1000, s25, s23, $0x38;
	[tilespmem:$0x18B80] =	vst v63  }
0x92: {  	s11 =	rddreg [dreg:$0xb];
	s20 =	spop (v2sf)  }
0x93: {  	[tilespmem:s11], [sflag:$0x1] =	stream.strided.gather [hbm4b:s20+s23], $0x1000, s25, s23, $0x38;
	[tilespmem:$0x18B80] =	vst v63  }
0x94: {  	s19 =	rddreg [dreg:$0xc];
	s10 =	spop (v2sf)  }
0x95: {  	[tilespmem:s19], [sflag:$0x1] =	stream.strided.gather [hbm4b:s10+s23], $0x1000, s25, s23, $0x38;
	[tilespmem:$0x18B80] =	vst v63  }
0x96: {  	s9 =	rddreg [dreg:$0xd];
	s12 =	spop (v2sf)  }
0x97: {  	[tilespmem:s9], [sflag:$0x1] =	stream.strided.gather [hbm4b:s12+s23], $0x1000, s25, s23, $0x38;
	[tilespmem:$0x18B80] =	vst v63  }
0x98: {  	s11 =	rddreg [dreg:$0xe];
	s20 =	spop (v2sf)  }
0x99: {  	[tilespmem:s11], [sflag:$0x1] =	stream.strided.gather [hbm4b:s20+s23], $0x1000, s25, s23, $0x38;
	[tilespmem:$0x18B80] =	vst v63  }
0x9a: {  	p0 =	por $0x0, $0x0;
	s8 =	spop (v2sf);
	s19 =	rddreg [dreg:$0xf]  }
0x9b: {  	[tilespmem:s19], [sflag:$0x1] =	stream.strided.gather [hbm4b:s8+s23], $0x1000, s25, s23, $0x38;
	[tilespmem:$0x18B80] =	vst v63  }
0x9c: {  	v22 =	vld @!p0 [tilespmem:s6+$0x0];
	_ =	sdelay $0x4  }
0x9d: {  	v22 =	vand.u32 @!p0 $0xFFFFFF80, v22  }
0x9e: {  	v22 =	vadd.s32 @!p0 s1, v22  }
0x9f: {  	(v2sf) =	vpush @!p0 v22, $0x0;
	_ =	sdelay $0x1  }
0xa0: {  	(v2sf) =	vpush @!p0 v22, $0x1;
	_ =	sdelay $0x1  }
0xa1: {  	(v2sf) =	vpush @!p0 v22, $0x2;
	_ =	sdelay $0x1  }
0xa2: {  	(v2sf) =	vpush @!p0 v22, $0x3;
	_ =	sdelay $0x1  }
0xa3: {  	(v2sf) =	vpush @!p0 v22, $0x4;
	_ =	sdelay $0x1  }
0xa4: {  	(v2sf) =	vpush @!p0 v22, $0x5;
	_ =	sdelay $0x1  }
0xa5: {  	s3 =	sand.u32 $0x1, s4;
	(v2sf) =	vpush @!p0 v22, $0x6  }
0xa6: {  	s6 =	sshll.u32 @!p0 s3, $0xF  }
0xa7: {  	s9 =	simm.s32 @!p0 $0x400;
	s7 =	sxor.u32 @!p0 $0x8000, s6;
	(v2sf) =	vpush @!p0 v22, $0x7  }
0xa8: {  	s8 =	simm.s32 @!p0 $0x7A1400;
	s7 =	sor.u32 @!p0 $0x500, s7;
	s10 =	spop @!p0 (v2sf)  }
0xa9: {  	[tilespmem:s7], [sflag:$0x2] =	stream.strided.gather @!p0 [hbm4b:s10+s9], $0x1000, s8, s9, $0x38;
	[tilespmem:$0x18B80] =	vst v63  }
0xaa: {  	s7 =	sxor.u32 @!p0 $0x9500, s6;
	s10 =	spop @!p0 (v2sf)  }
0xab: {  	[tilespmem:s7], [sflag:$0x2] =	stream.strided.gather @!p0 [hbm4b:s10+s9], $0x1000, s8, s9, $0x38;
	[tilespmem:$0x18B80] =	vst v63  }
0xac: {  	s7 =	sxor.u32 @!p0 $0xA500, s6;
	s10 =	spop @!p0 (v2sf)  }
0xad: {  	[tilespmem:s7], [sflag:$0x2] =	stream.strided.gather @!p0 [hbm4b:s10+s9], $0x1000, s8, s9, $0x38;
	[tilespmem:$0x18B80] =	vst v63  }
0xae: {  	s7 =	sxor.u32 @!p0 $0xB500, s6;
	s10 =	spop @!p0 (v2sf)  }
0xaf: {  	[tilespmem:s7], [sflag:$0x2] =	stream.strided.gather @!p0 [hbm4b:s10+s9], $0x1000, s8, s9, $0x38;
	[tilespmem:$0x18B80] =	vst v63  }
0xb0: {  	s7 =	sxor.u32 @!p0 $0xC500, s6;
	s10 =	spop @!p0 (v2sf)  }
0xb1: {  	[tilespmem:s7], [sflag:$0x2] =	stream.strided.gather @!p0 [hbm4b:s10+s9], $0x1000, s8, s9, $0x38;
	[tilespmem:$0x18B80] =	vst v63  }
0xb2: {  	s7 =	sxor.u32 @!p0 $0xD500, s6;
	s10 =	spop @!p0 (v2sf)  }
0xb3: {  	[tilespmem:s7], [sflag:$0x2] =	stream.strided.gather @!p0 [hbm4b:s10+s9], $0x1000, s8, s9, $0x38;
	[tilespmem:$0x18B80] =	vst v63  }
0xb4: {  	s7 =	sxor.u32 @!p0 $0xE500, s6;
	s10 =	spop @!p0 (v2sf)  }
0xb5: {  	[tilespmem:s7], [sflag:$0x2] =	stream.strided.gather @!p0 [hbm4b:s10+s9], $0x1000, s8, s9, $0x38;
	[tilespmem:$0x18B80] =	vst v63  }
0xb6: {  	s6 =	sxor.u32 @!p0 $0xF500, s6;
	s7 =	spop @!p0 (v2sf)  }
0xb7: {  	[tilespmem:s6], [sflag:$0x2] =	stream.strided.gather @!p0 [hbm4b:s7+s9], $0x1000, s8, s9, $0x38;
	[tilespmem:$0x18B80] =	vst v63  }
0xb8: {  	_ =	swait.ge [sflag:s29], $0x1000  }
0xb9: {  	[sflag:s29] =	ssyncset.done $0x0  }
0xba: {  	[sflag:s29] =	ssyncadd.s32 $0xFFFFF000  }
0xbb: {  	_ =	swait.ge [sflag:s24], $0x1000  }
0xbc: {  	[sflag:s24] =	ssyncset.done $0x0  }
0xbd: {  	[sflag:s24] =	ssyncadd.s32 $0xFFFFF000  }
0xbe: {  	_ =	swait.ge [sflag:s29], $0x1000  }
0xbf: {  	[sflag:s29] =	ssyncset.done $0x0  }
0xc0: {  	[sflag:s29] =	ssyncadd.s32 $0xFFFFF000  }
0xc1: {  	_ =	swait.ge [sflag:s24], $0x1000  }
0xc2: {  	[sflag:s24] =	ssyncset.done $0x0  }
0xc3: {  	[sflag:s24] =	ssyncadd.s32 $0xFFFFF000  }
0xc4: {  	_ =	swait.ge [sflag:s29], $0x1000  }
0xc5: {  	[sflag:s29] =	ssyncset.done $0x0  }
0xc6: {  	[sflag:s29] =	ssyncadd.s32 $0xFFFFF000  }
0xc7: {  	_ =	swait.ge [sflag:s24], $0x1000  }
0xc8: {  	[sflag:s24] =	ssyncset.done $0x0  }
0xc9: {  	[sflag:s24] =	ssyncadd.s32 $0xFFFFF000  }
0xca: {  	_ =	swait.ge [sflag:s29], $0x1000  }
0xcb: {  	[sflag:s29] =	ssyncset.done $0x0  }
0xcc: {  	[sflag:s29] =	ssyncadd.s32 $0xFFFFF000  }
0xcd: {  	_ =	swait.ge [sflag:s24], $0x1000  }
0xce: {  	[sflag:s24] =	ssyncset.done $0x0  }
0xcf: {  	[sflag:s24] =	ssyncadd.s32 $0xFFFFF000  }
0xd0: {  	_ =	swait.ge [sflag:s29], $0x1000  }
0xd1: {  	[sflag:s29] =	ssyncset.done $0x0  }
0xd2: {  	[sflag:s29] =	ssyncadd.s32 $0xFFFFF000  }
0xd3: {  	_ =	swait.ge [sflag:s24], $0x1000  }
0xd4: {  	[sflag:s24] =	ssyncset.done $0x0  }
0xd5: {  	[sflag:s24] =	ssyncadd.s32 $0xFFFFF000  }
0xd6: {  	_ =	swait.ge [sflag:s29], $0x1000  }
0xd7: {  	[sflag:s29] =	ssyncset.done $0x0  }
0xd8: {  	[sflag:s29] =	ssyncadd.s32 $0xFFFFF000  }
0xd9: {  	_ =	swait.ge [sflag:s24], $0x1000  }
0xda: {  	[sflag:s24] =	ssyncset.done $0x0  }
0xdb: {  	[sflag:s24] =	ssyncadd.s32 $0xFFFFF000  }
0xdc: {  	_ =	swait.ge [sflag:s29], $0x1000  }
0xdd: {  	[sflag:s29] =	ssyncset.done $0x0  }
0xde: {  	s9 =	sshll.u32 s3, $0x8;
	[sflag:s29] =	ssyncadd.s32 $0xFFFFF000  }
0xdf: {  	v20 =	vand.u32 $0x7F, v20;
	s10 =	sor.u32 $0x40, s9;
	_ =	swait.ge [sflag:s24], $0x1000  }
0xe0: {  	v21 =	vand.u32 $0x7F, v21;
	v22 =	vbroadcast v20, $0x2;
	v23 =	vmov s10;
	[sflag:s24] =	ssyncset.done $0x0  }
0xe1: {  	v24 =	vbroadcast v21, $0x2;
	v23 =	vshll.u32 v23, $0x7;
	[sflag:s24] =	ssyncadd.s32 $0xFFFFF000  }
0xe2: {  	v27 =	vbroadcast v20, $0x1;
	v26 =	vor.u32 v7, v22;
	s11 =	sor.u32 $0x20, s9;
	v25 =	vor.u32 v2, v23;
	_ =	swait.ge [sflag:s29], $0x1000  }
0xe3: {  	v28 =	vmov s11;
	v23 =	vor.u32 v1, v23;
	v25 =	vor.u32 v25, v24;
	[sflag:s29] =	ssyncset.done $0x0  }
0xe4: {  	v23 =	vor.u32 v23, v24;
	v24 =	vshll.u32 v28, $0x7;
	v28 =	vbroadcast v21, $0x1;
	[sflag:s29] =	ssyncadd.s32 $0xFFFFF000  }
0xe5: {  	v30 =	vor.u32 v6, v27;
	v29 =	vor.u32 v2, v24;
	_ =	swait.ge [sflag:s24], $0x1000  }
0xe6: {  	v24 =	vor.u32 v1, v24;
	v29 =	vor.u32 v29, v28;
	[sflag:s24] =	ssyncset.done $0x0  }
0xe7: {  	v31 =	vbroadcast v20, $0x0;
	v24 =	vor.u32 v24, v28;
	[sflag:s24] =	ssyncadd.s32 $0xFFFFF000  }
0xe8: {  	v27 =	vor.u32 v5, v27;
	v32 =	vmov s9;
	v26 =	vld.idx.msk [tilespmem:v26+s26+$0x0], $0xffff  }
0xe9: {  	v34 =	vor.u32 v4, v31;
	v33 =	vbroadcast v21, $0x0;
	v28 =	vshll.u32 v32, $0x7;
	v25 =	vld.idx.msk [tilespmem:v25+s26+$0x0], $0xffff  }
0xea: {  	v31 =	vor.u32 v3, v31;
	v32 =	vor.u32 v1, v28;
	v30 =	vld.idx.msk [tilespmem:v30+s26+$0x0], $0xffff  }
0xeb: {  	s12 =	sor.u32 $0x60, s9;
	v28 =	vor.u32 v2, v28;
	v32 =	vor.u32 v32, v33;
	v29 =	vld.idx.msk [tilespmem:v29+s26+$0x0], $0xffff  }
0xec: {  	v37 =	vbroadcast v20, $0x3;
	v35 =	vmov s12;
	v28 =	vor.u32 v28, v33;
	v24 =	vld.idx.msk [tilespmem:v24+s26+$0x0], $0xffff  }
0xed: {  	v60 =	vbroadcast v20, $0x4;
	v36 =	vbroadcast v21, $0x3;
	v35 =	vshll.u32 v35, $0x7;
	v27 =	vld.idx.msk [tilespmem:v27+s26+$0x0], $0xffff  }
0xee: {  	v39 =	vbroadcast v20, $0x5;
	v22 =	vor.u32 v8, v22;
	s19 =	sor.u32 $0x80, s9;
	v38 =	vor.u32 v1, v35;
	v34 =	vld.idx.msk [tilespmem:v34+s26+$0x0], $0xffff  }
0xef: {  	v40 =	vmov s19;
	v35 =	vor.u32 v2, v35;
	v38 =	vor.u32 v38, v36;
	v31 =	vld.idx.msk [tilespmem:v31+s26+$0x0], $0xffff  }
0xf0: {  	v41 =	vbroadcast v21, $0x4;
	s20 =	sor.u32 $0xA0, s9;
	v61 =	vshll.u32 v40, $0x7;
	v35 =	vor.u32 v35, v36;
	v32 =	vld.idx.msk [tilespmem:v32+s26+$0x0], $0xffff  }
0xf1: {  	v62 =	vor.u32 v9, v37;
	v43 =	vmov s20;
	v42 =	vor.u32 v1, v61;
	v28 =	vld.idx.msk [tilespmem:v28+s26+$0x0], $0xffff  }
0xf2: {  	v47 =	vbroadcast v21, $0x5;
	v43 =	vshll.u32 v43, $0x7;
	v42 =	vor.u32 v42, v41;
	v23 =	vld.idx.msk [tilespmem:v23+s26+$0x0], $0xffff  }
0xf3: {  	v46 =	vor.u32 v11, v60;
	v45 =	vor.u32 v1, v43;
	v43 =	vor.u32 v2, v43;
	v22 =	vld.idx.msk [tilespmem:v22+s26+$0x0], $0xffff  }
0xf4: {  	v37 =	vor.u32 v10, v37;
	v50 =	vor.u32 v13, v39;
	v49 =	vor.u32 v43, v47;
	v38 =	vld.idx.msk [tilespmem:v38+s26+$0x0], $0xffff  }
0xf5: {  	v39 =	vor.u32 v14, v39;
	v35 =	vld.idx.msk [tilespmem:v35+s26+$0x0], $0xffff;
	v29 =	vmul.f32 v30, v29;
	v24 =	vmul.f32 v27, v24  }
0xf6: {  	v36 =	vor.u32 v2, v61;
	v40 =	vld.idx.msk [tilespmem:v62+s26+$0x0], $0xffff;
	v31 =	vmul.f32 v31, v32;
	v28 =	vmul.f32 v34, v28  }
0xf7: {  	v44 =	vbroadcast v20, $0x6;
	v36 =	vor.u32 v36, v41;
	v48 =	vld.idx.msk [tilespmem:v42+s26+$0x0], $0xffff;
	v24 =	vadd.f32 v29, v24  }
0xf8: {  	s8 =	sor.u32 $0xC0, s9;
	v33 =	vor.u32 v12, v60;
	v53 =	vld.idx.msk [tilespmem:v46+s26+$0x0], $0xffff;
	v28 =	vadd.f32 v28, v31  }
0xf9: {  	v57 =	vor.u32 v15, v44;
	v51 =	vbroadcast v21, $0x6;
	v63 =	vmov s8;
	v56 =	vld.idx.msk [tilespmem:v49+s26+$0x0], $0xffff;
	(xrf2) =	vadd.scan.msk.f32 $0xffff, v24  }
0xfa: {  	v20 =	vbroadcast v20, $0x7;
	s6 =	sor.u32 $0xE0, s9;
	v41 =	vshll.u32 v63, $0x7;
	v39 =	vld.idx.msk [tilespmem:v39+s26+$0x0], $0xffff;
	v30 =	vor.u32 v45, v47;
	(xrf2) =	vadd.scan.msk.f32 $0xffff, v28  }
0xfb: {  	v54 =	vmov s6;
	v21 =	vbroadcast v21, $0x7;
	v52 =	vor.u32 v1, v41;
	v27 =	vld.idx.msk [tilespmem:v37+s26+$0x0], $0xffff  }
0xfc: {  	v55 =	vor.u32 v52, v51;
	v22 =	vmul.f32 v22, v25;
	v23 =	vmul.f32 v26, v23;
	v29 =	vld.idx.msk [tilespmem:v36+s26+$0x0], $0xffff  }
0xfd: {  	v26 =	vor.u32 v16, v44;
	v31 =	vor.u32 v2, v41;
	v41 =	vshll.u32 v54, $0x7;
	v24 =	vld.idx.msk [tilespmem:v33+s26+$0x0], $0xffff  }
0xfe: {  	v25 =	vld.idx.msk [tilespmem:v50+s26+$0x0], $0xffff;
	v31 =	vor.u32 v31, v51;
	v28 =	vor.u32 v1, v41  }
0xff: {  	v60 =	vor.u32 v17, v20;
	v22 =	vadd.f32 v22, v23;
	v30 =	vld.idx.msk [tilespmem:v30+s26+$0x0], $0xffff;
	v28 =	vor.u32 v28, v21  }
0x100: {  	v61 =	vld.idx.msk [tilespmem:v57+s26+$0x0], $0xffff;
	v59 =	vmul.f32 v40, v38;
	v58 =	vor.u32 v2, v41;
	v27 =	vmul.f32 v27, v35  }
0x101: {  	v20 =	vor.u32 v18, v20;
	v23 =	vld.idx.msk [tilespmem:v55+s26+$0x0], $0xffff;
	v21 =	vor.u32 v58, v21;
	(xrf2) =	vadd.scan.msk.f32 $0xffff, v22  }
0x102: {  	v26 =	vld.idx.msk [tilespmem:v26+s26+$0x0], $0xffff;
	v22 =	vadd.f32 v27, v59;
	v27 =	vmul.f32 v53, v48;
	v24 =	vmul.f32 v24, v29  }
0x103: {  	v31 =	vld.idx.msk [tilespmem:v31+s26+$0x0], $0xffff;
	v29, _, _ =	vpop (xrf2)  }
0x104: {  	v28 =	vld.idx.msk [tilespmem:v28+s26+$0x0], $0xffff;
	(xrf2) =	vadd.scan.msk.f32 $0xffff, v22;
	v22 =	vadd.f32 v24, v27;
	v24 =	vmul.f32 v25, v30;
	v30, _, _ =	vpop (xrf2)  }
0x105: {  	v25 =	vmul.f32 v39, v56;
	v27 =	vld.idx.msk [tilespmem:v60+s26+$0x0], $0xffff;
	v30 =	vbroadcast v30, $0xF  }
0x106: {  	v20 =	vld.idx.msk [tilespmem:v20+s26+$0x0], $0xffff;
	v62 =	vimm.f32 $0.0e+00  }
0x107: {  	s9 =	sshll.u32 s3, $0x3;
	v21 =	vld.idx.msk [tilespmem:v21+s26+$0x0], $0xffff;
	v24 =	vadd.f32 v25, v24;
	v25 =	vadd.f32 v30, v62  }
0x108: {  	v63 =	vmov s9;
	(xrf2) =	vadd.scan.msk.f32 $0xffff, v22;
	v22 =	vmul.f32 v61, v23;
	v23 =	vmul.f32 v26, v31  }
0x109: {  	vm0 =	veq.s32 v63, v0;
	v26 =	vbroadcast v29, $0xF  }
0x10a: {  	s10 =	sor.u32 $0x1, s9;
	v22 =	vadd.f32 v23, v22;
	(xrf2) =	vadd.scan.msk.f32 $0xffff, v24;
	v24 =	vmul.f32 v27, v28;
	v23 =	vsel vm0, v25, v62  }
0x10b: {  	v29 =	vmov s10;
	v26 =	vadd.f32 v26, v23;
	v25, _, _ =	vpop (xrf2)  }
0x10c: {  	v20 =	vmul.f32 v20, v21;
	vm0 =	veq.s32 v29, v0;
	v21 =	vbroadcast v25, $0xF  }
0x10d: {  	s11 =	sor.u32 $0x2, s9;
	(xrf2) =	vadd.scan.msk.f32 $0xffff, v22;
	v22 =	vsel vm0, v26, v23  }
0x10e: {  	v20 =	vadd.f32 v20, v24;
	v23 =	vmov s11;
	v24, _, _ =	vpop (xrf2);
	v21 =	vadd.f32 v21, v22  }
0x10f: {  	vm0 =	veq.s32 v23, v0;
	v23 =	vbroadcast v24, $0xF  }
0x110: {  	(xrf2) =	vadd.scan.msk.f32 $0xffff, v20;
	v20 =	vsel vm0, v21, v22  }
0x111: {  	s12 =	sor.u32 $0x3, s9;
	v23 =	vadd.f32 v23, v20  }
0x112: {  	v21 =	vmov s12;
	v22, _, _ =	vpop (xrf2)  }
0x113: {  	vm0 =	veq.s32 v21, v0;
	v21 =	vbroadcast v22, $0xF  }
0x114: {  	s19 =	sor.u32 $0x4, s9;
	v20 =	vsel vm0, v23, v20  }
0x115: {  	v22 =	vmov s19;
	v21 =	vadd.f32 v21, v20;
	v23, _, _ =	vpop (xrf2)  }
0x116: {  	vm0 =	veq.s32 v22, v0;
	v22 =	vbroadcast v23, $0xF  }
0x117: {  	s20 =	sor.u32 $0x5, s9;
	v20 =	vsel vm0, v21, v20  }
0x118: {  	p1 =	seq.s32 s3, $0x0;
	v21 =	vmov s20;
	v23, _, _ =	vpop (xrf2);
	v22 =	vadd.f32 v22, v20  }
0x119: {  	s7 =	sand.u32 @!p1 $0x1F0, s4;
	s3 =	sshllo.u32 s3, $0x3;
	s6 =	sor.u32 $0x6, s9;
	vm0 =	veq.s32 v21, v0;
	v23 =	vbroadcast v23, $0xF  }
0x11a: {  	v30 =	vmov s3;
	v24 =	vmov s6;
	v21 =	vld @!p1 [tilespmem:s7+$0x18500];
	v25, _, _ =	vpop (xrf2);
	v20 =	vsel vm0, v22, v20  }
0x11b: {  	s28 =	simm.s32 $0x10;
	s30 =	simm.s32 $0x0;
	s3 =	simm.s32 $0x1;
	v22 =	vld @!p1 [tilespmem:s7+$0x18700];
	vm0 =	veq.s32 v24, v0;
	v24 =	vadd.f32 v23, v20;
	v23 =	vbroadcast v25, $0xF  }
.LBB2_2:
0x11c: {  	_ = 	snop  }
0x11d: {  	v20 =	vsel vm0, v24, v20  }
0x11e: {  	v23 =	vadd.f32 v23, v20  }
0x11f: {  	vm0 =	veq.s32 v30, v0  }
0x120: {  	v20 =	vsel vm0, v23, v20  }
0x121: {  	v23 =	vadd.f32 @!p1 v20, v19;
	_ =	sdelay $0x1  }
0x122: {  	v21 =	vadd.f32 @!p1 v21, v23;
	_ =	sdelay $0x1  }
0x123: {  	v21 =	vadd.f32 @!p1 v22, v21;
	_ =	sdelay $0x1  }
0x124: {  	s0 =	sadd.s32 $0x8, s0;
	[tilespmem:s7+$0x18980] =	vst @!p1 v21  }
0x125: {  	v21 =	vld [tilespmem:s0+$0x0];
	_ =	sdelay $0x4  }
0x126: {  	s9 =	rddreg [dreg:$0x7];
	v25 =	vand.u32 $0x7F, v21;
	v21 =	vand.u32 $0xFFFFFF80, v21  }
0x127: {  	v27 =	vadd.s32 s9, v21  }
0x128: {  	(v2sf) =	vpush v27, $0x0;
	_ =	sdelay $0x1  }
0x129: {  	(v2sf) =	vpush v27, $0x1;
	_ =	sdelay $0x1  }
0x12a: {  	(v2sf) =	vpush v27, $0x2;
	_ =	sdelay $0x1  }
0x12b: {  	(v2sf) =	vpush v27, $0x3;
	_ =	sdelay $0x1  }
0x12c: {  	(v2sf) =	vpush v27, $0x4;
	_ =	sdelay $0x1  }
0x12d: {  	(v2sf) =	vpush v27, $0x5;
	_ =	sdelay $0x1  }
0x12e: {  	(v2sf) =	vpush v27, $0x6  }
0x12f: {  	v29 =	vbroadcast v25, $0x1;
	v31 =	vbroadcast v25, $0x2  }
0x130: {  	v28 =	vbroadcast v25, $0x0;
	v26 =	vbroadcast v25, $0x3;
	(v2sf) =	vpush v27, $0x7  }
0x131: {  	s10 =	rddreg [dreg:$0x8];
	v24 =	vbroadcast v25, $0x4;
	v23 =	vbroadcast v25, $0x5;
	s9 =	spop (v2sf)  }
0x132: {  	v22 =	vbroadcast v25, $0x6;
	v21 =	vbroadcast v25, $0x7;
	v25 =	vld [tilespmem:s28+$0xFFFFFFF8];
	[tilespmem:s10], [sflag:$0x1] =	stream.strided.gather [hbm4b:s9+s23], $0x1000, s25, s23, $0x38  }
0x133: {  	s8 =	rddreg [dreg:$0x9];
	s12 =	spop (v2sf)  }
0x134: {  	[tilespmem:s8], [sflag:$0x1] =	stream.strided.gather [hbm4b:s12+s23], $0x1000, s25, s23, $0x38;
	[tilespmem:$0x18B80] =	vst v63  }
0x135: {  	s11 =	rddreg [dreg:$0xa];
	s20 =	spop (v2sf)  }
0x136: {  	[tilespmem:s11], [sflag:$0x1] =	stream.strided.gather [hbm4b:s20+s23], $0x1000, s25, s23, $0x38;
	[tilespmem:$0x18B80] =	vst v63  }
0x137: {  	s19 =	rddreg [dreg:$0xb];
	s11 =	spop (v2sf)  }
0x138: {  	[tilespmem:s19], [sflag:$0x1] =	stream.strided.gather [hbm4b:s11+s23], $0x1000, s25, s23, $0x38;
	[tilespmem:$0x18B80] =	vst v63  }
0x139: {  	s10 =	rddreg [dreg:$0xc];
	s19 =	spop (v2sf)  }
0x13a: {  	[tilespmem:s10], [sflag:$0x1] =	stream.strided.gather [hbm4b:s19+s23], $0x1000, s25, s23, $0x38;
	[tilespmem:$0x18B80] =	vst v63  }
0x13b: {  	s12 =	rddreg [dreg:$0xd];
	s10 =	spop (v2sf)  }
0x13c: {  	[tilespmem:s12], [sflag:$0x1] =	stream.strided.gather [hbm4b:s10+s23], $0x1000, s25, s23, $0x38;
	[tilespmem:$0x18B80] =	vst v63  }
0x13d: {  	s6 =	smov.u32 s3;
	s20 =	rddreg [dreg:$0xe];
	s12 =	spop (v2sf)  }
0x13e: {  	[tilespmem:s20], [sflag:$0x1] =	stream.strided.gather [hbm4b:s12+s23], $0x1000, s25, s23, $0x38;
	[tilespmem:$0x18B80] =	vst v63  }
0x13f: {  	v20 =	vpsel !p1, $0x0, v20;
	p1 =	seq.s32 s6, $0x3F;
	s11 =	rddreg [dreg:$0xf];
	s19 =	spop (v2sf)  }
0x140: {  	[tilespmem:s11], [sflag:$0x1] =	stream.strided.gather [hbm4b:s19+s23], $0x1000, s25, s23, $0x38;
	[tilespmem:$0x18B80] =	vst v63  }
0x141: {  	v27 =	vld @!p1 [tilespmem:s28+$0x0];
	_ =	sdelay $0x4  }
0x142: {  	v27 =	vand.u32 @!p1 $0xFFFFFF80, v27  }
0x143: {  	v30 =	vadd.s32 @!p1 s1, v27  }
0x144: {  	(v2sf) =	vpush @!p1 v30, $0x0;
	_ =	sdelay $0x1  }
0x145: {  	(v2sf) =	vpush @!p1 v30, $0x1;
	_ =	sdelay $0x1  }
0x146: {  	(v2sf) =	vpush @!p1 v30, $0x2;
	_ =	sdelay $0x1  }
0x147: {  	(v2sf) =	vpush @!p1 v30, $0x3;
	_ =	sdelay $0x1  }
0x148: {  	(v2sf) =	vpush @!p1 v30, $0x4;
	_ =	sdelay $0x1  }
0x149: {  	(v2sf) =	vpush @!p1 v30, $0x5;
	_ =	sdelay $0x1  }
0x14a: {  	s6 =	sand.u32 $0x1, s6;
	(v2sf) =	vpush @!p1 v30, $0x6  }
0x14b: {  	s9 =	sshll.u32 @!p1 s6, $0xF;
	s19 =	sshll.u32 s6, $0x8  }
0x14c: {  	s8 =	simm.s32 @!p1 $0x7A1400;
	s10 =	sxor.u32 @!p1 $0x8000, s9;
	s11 =	sor.u32 $0x40, s19;
	(v2sf) =	vpush @!p1 v30, $0x7  }
0x14d: {  	s12 =	sor.u32 @!p1 $0x500, s10;
	s10 =	simm.s32 @!p1 $0x400;
	v59 =	vmov s11;
	s11 =	spop @!p1 (v2sf)  }
0x14e: {  	v32 =	vmov s19;
	[tilespmem:s12], [sflag:$0x2] =	stream.strided.gather @!p1 [hbm4b:s11+s10], $0x1000, s8, s10, $0x38;
	[tilespmem:$0x18B80] =	vst v63  }
0x14f: {  	v30 =	vshll.u32 v32, $0x7;
	s11 =	sxor.u32 @!p1 $0x9500, s9;
	s12 =	sor.u32 $0x20, s19;
	s20 =	spop @!p1 (v2sf)  }
0x150: {  	v41 =	vor.u32 v1, v30;
	v42 =	vor.u32 v2, v30;
	v30 =	vshll.u32 v59, $0x7;
	[tilespmem:s11], [sflag:$0x2] =	stream.strided.gather @!p1 [hbm4b:s20+s10], $0x1000, s8, s10, $0x38;
	[tilespmem:$0x18B80] =	vst v63  }
0x151: {  	v50 =	vor.u32 v1, v30;
	v52 =	vor.u32 v2, v30;
	v30 =	vmov s12;
	s12 =	sor.u32 $0x60, s19;
	s11 =	sxor.u32 @!p1 $0xA500, s9;
	s20 =	spop @!p1 (v2sf)  }
0x152: {  	v30 =	vshll.u32 v30, $0x7;
	[tilespmem:s11], [sflag:$0x2] =	stream.strided.gather @!p1 [hbm4b:s20+s10], $0x1000, s8, s10, $0x38;
	[tilespmem:$0x18B80] =	vst v63  }
0x153: {  	v51 =	vor.u32 v1, v30;
	v53 =	vor.u32 v2, v30;
	v30 =	vmov s12;
	s12 =	sor.u32 $0x80, s19;
	s11 =	sxor.u32 @!p1 $0xB500, s9;
	s20 =	spop @!p1 (v2sf)  }
0x154: {  	v30 =	vshll.u32 v30, $0x7;
	[tilespmem:s11], [sflag:$0x2] =	stream.strided.gather @!p1 [hbm4b:s20+s10], $0x1000, s8, s10, $0x38;
	[tilespmem:$0x18B80] =	vst v63  }
0x155: {  	v49 =	vor.u32 v1, v30;
	v48 =	vor.u32 v2, v30;
	v30 =	vmov s12;
	s12 =	sor.u32 $0xA0, s19;
	s11 =	sxor.u32 @!p1 $0xC500, s9;
	s20 =	spop @!p1 (v2sf)  }
0x156: {  	v30 =	vshll.u32 v30, $0x7;
	[tilespmem:s11], [sflag:$0x2] =	stream.strided.gather @!p1 [hbm4b:s20+s10], $0x1000, s8, s10, $0x38;
	[tilespmem:$0x18B80] =	vst v63  }
0x157: {  	v47 =	vor.u32 v1, v30;
	v46 =	vor.u32 v2, v30;
	v30 =	vmov s12;
	s12 =	sor.u32 $0xC0, s19;
	s11 =	sxor.u32 @!p1 $0xD500, s9;
	s20 =	spop @!p1 (v2sf)  }
0x158: {  	[tilespmem:s11], [sflag:$0x2] =	stream.strided.gather @!p1 [hbm4b:s20+s10], $0x1000, s8, s10, $0x38;
	[tilespmem:$0x18B80] =	vst v63  }
0x159: {  	s11 =	sxor.u32 @!p1 $0xE500, s9;
	s20 =	sor.u32 $0xE0, s19;
	s19 =	spop @!p1 (v2sf)  }
0x15a: {  	v30 =	vshll.u32 v30, $0x7;
	[tilespmem:s11], [sflag:$0x2] =	stream.strided.gather @!p1 [hbm4b:s19+s10], $0x1000, s8, s10, $0x38;
	[tilespmem:$0x18B80] =	vst v63  }
0x15b: {  	v45 =	vor.u32 v1, v30;
	v44 =	vor.u32 v2, v30;
	v30 =	vmov s12;
	s9 =	sxor.u32 @!p1 $0xF500, s9;
	s12 =	spop @!p1 (v2sf)  }
0x15c: {  	[tilespmem:s9], [sflag:$0x2] =	stream.strided.gather @!p1 [hbm4b:s12+s10], $0x1000, s8, s10, $0x38;
	[tilespmem:$0x18B80] =	vst v63  }
0x15d: {  	_ =	swait.ge [sflag:s29], $0x1000  }
0x15e: {  	[sflag:s29] =	ssyncset.done $0x0  }
0x15f: {  	[sflag:s29] =	ssyncadd.s32 $0xFFFFF000  }
0x160: {  	_ =	swait.ge [sflag:s24], $0x1000  }
0x161: {  	[sflag:s24] =	ssyncset.done $0x0  }
0x162: {  	[sflag:s24] =	ssyncadd.s32 $0xFFFFF000  }
0x163: {  	_ =	swait.ge [sflag:s29], $0x1000  }
0x164: {  	[sflag:s29] =	ssyncset.done $0x0  }
0x165: {  	[sflag:s29] =	ssyncadd.s32 $0xFFFFF000  }
0x166: {  	_ =	swait.ge [sflag:s24], $0x1000  }
0x167: {  	[sflag:s24] =	ssyncset.done $0x0  }
0x168: {  	[sflag:s24] =	ssyncadd.s32 $0xFFFFF000  }
0x169: {  	_ =	swait.ge [sflag:s29], $0x1000  }
0x16a: {  	[sflag:s29] =	ssyncset.done $0x0  }
0x16b: {  	[sflag:s29] =	ssyncadd.s32 $0xFFFFF000  }
0x16c: {  	_ =	swait.ge [sflag:s24], $0x1000  }
0x16d: {  	[sflag:s24] =	ssyncset.done $0x0  }
0x16e: {  	[sflag:s24] =	ssyncadd.s32 $0xFFFFF000  }
0x16f: {  	_ =	swait.ge [sflag:s29], $0x1000  }
0x170: {  	[sflag:s29] =	ssyncset.done $0x0  }
0x171: {  	[sflag:s29] =	ssyncadd.s32 $0xFFFFF000  }
0x172: {  	_ =	swait.ge [sflag:s24], $0x1000  }
0x173: {  	[sflag:s24] =	ssyncset.done $0x0  }
0x174: {  	[sflag:s24] =	ssyncadd.s32 $0xFFFFF000  }
0x175: {  	_ =	swait.ge [sflag:s29], $0x1000  }
0x176: {  	[sflag:s29] =	ssyncset.done $0x0  }
0x177: {  	[sflag:s29] =	ssyncadd.s32 $0xFFFFF000  }
0x178: {  	_ =	swait.ge [sflag:s24], $0x1000  }
0x179: {  	[sflag:s24] =	ssyncset.done $0x0  }
0x17a: {  	[sflag:s24] =	ssyncadd.s32 $0xFFFFF000  }
0x17b: {  	_ =	swait.ge [sflag:s29], $0x1000  }
0x17c: {  	[sflag:s29] =	ssyncset.done $0x0  }
0x17d: {  	[sflag:s29] =	ssyncadd.s32 $0xFFFFF000  }
0x17e: {  	_ =	swait.ge [sflag:s24], $0x1000  }
0x17f: {  	[sflag:s24] =	ssyncset.done $0x0  }
0x180: {  	[sflag:s24] =	ssyncadd.s32 $0xFFFFF000  }
0x181: {  	_ =	swait.ge [sflag:s29], $0x1000  }
0x182: {  	[sflag:s29] =	ssyncset.done $0x0  }
0x183: {  	[sflag:s29] =	ssyncadd.s32 $0xFFFFF000  }
0x184: {  	_ =	swait.ge [sflag:s24], $0x1000  }
0x185: {  	[sflag:s24] =	ssyncset.done $0x0  }
0x186: {  	v25 =	vand.u32 $0x7F, v25;
	[sflag:s24] =	ssyncadd.s32 $0xFFFFF000  }
0x187: {  	v54 =	vbroadcast v25, $0x2;
	_ =	swait.ge [sflag:s29], $0x1000  }
0x188: {  	v55 =	vor.u32 v7, v31;
	[sflag:s29] =	ssyncset.done $0x0  }
0x189: {  	v52 =	vor.u32 v52, v54;
	[sflag:s29] =	ssyncadd.s32 $0xFFFFF000  }
0x18a: {  	v50 =	vor.u32 v50, v54;
	_ =	swait.ge [sflag:s24], $0x1000  }
0x18b: {  	v31 =	vor.u32 v8, v31;
	v60 =	vbroadcast v25, $0x1;
	[sflag:s24] =	ssyncset.done $0x0  }
0x18c: {  	v56 =	vor.u32 v6, v29;
	[sflag:s24] =	ssyncadd.s32 $0xFFFFF000  }
0x18d: {  	v53 =	vor.u32 v53, v60;
	v55 =	vld.idx.msk [tilespmem:v55+s26+$0x0], $0xffff  }
0x18e: {  	v51 =	vor.u32 v51, v60;
	v52 =	vld.idx.msk [tilespmem:v52+s26+$0x0], $0xffff  }
0x18f: {  	v29 =	vor.u32 v5, v29;
	v50 =	vld.idx.msk [tilespmem:v50+s26+$0x0], $0xffff  }
0x190: {  	v57 =	vor.u32 v4, v28;
	v61 =	vbroadcast v25, $0x0;
	v31 =	vld.idx.msk [tilespmem:v31+s26+$0x0], $0xffff  }
0x191: {  	v28 =	vor.u32 v3, v28;
	v56 =	vld.idx.msk [tilespmem:v56+s26+$0x0], $0xffff  }
0x192: {  	v62 =	vbroadcast v25, $0x3;
	v41 =	vor.u32 v41, v61;
	v53 =	vld.idx.msk [tilespmem:v53+s26+$0x0], $0xffff  }
0x193: {  	v42 =	vor.u32 v42, v61;
	v51 =	vld.idx.msk [tilespmem:v51+s26+$0x0], $0xffff  }
0x194: {  	v49 =	vor.u32 v49, v62;
	v29 =	vld.idx.msk [tilespmem:v29+s26+$0x0], $0xffff  }
0x195: {  	v48 =	vor.u32 v48, v62;
	v57 =	vld.idx.msk [tilespmem:v57+s26+$0x0], $0xffff  }
0x196: {  	v63 =	vor.u32 v9, v26;
	v58 =	vbroadcast v25, $0x4;
	v28 =	vld.idx.msk [tilespmem:v28+s26+$0x0], $0xffff  }
0x197: {  	v26 =	vor.u32 v10, v26;
	v60 =	vbroadcast v25, $0x5;
	v41 =	vld.idx.msk [tilespmem:v41+s26+$0x0], $0xffff  }
0x198: {  	v62 =	vor.u32 v13, v23;
	v23 =	vor.u32 v14, v23;
	v47 =	vor.u32 v47, v58;
	v42 =	vld.idx.msk [tilespmem:v42+s26+$0x0], $0xffff  }
0x199: {  	v46 =	vor.u32 v46, v58;
	v58 =	vor.u32 v15, v22;
	v22 =	vor.u32 v16, v22;
	v49 =	vld.idx.msk [tilespmem:v49+s26+$0x0], $0xffff  }
0x19a: {  	v30 =	vshll.u32 v30, $0x7;
	v45 =	vor.u32 v45, v60;
	v44 =	vor.u32 v44, v60;
	v48 =	vld.idx.msk [tilespmem:v48+s26+$0x0], $0xffff  }
0x19b: {  	v43 =	vor.u32 v1, v30;
	v40 =	vor.u32 v2, v30;
	v30 =	vmov s20;
	v54 =	vld.idx.msk [tilespmem:v63+s26+$0x0], $0xffff  }
0x19c: {  	v30 =	vshll.u32 v30, $0x7;
	v26 =	vld.idx.msk [tilespmem:v26+s26+$0x0], $0xffff;
	v53 =	vmul.f32 v56, v53;
	v29 =	vmul.f32 v29, v51  }
0x19d: {  	v47 =	vld.idx.msk [tilespmem:v47+s26+$0x0], $0xffff;
	v51 =	vor.u32 v11, v24;
	v28 =	vmul.f32 v28, v41;
	v42 =	vmul.f32 v57, v42  }
0x19e: {  	v39 =	vor.u32 v1, v30;
	v46 =	vld.idx.msk [tilespmem:v46+s26+$0x0], $0xffff;
	v24 =	vor.u32 v12, v24;
	v29 =	vadd.f32 v53, v29  }
0x19f: {  	v63 =	vbroadcast v25, $0x6;
	v44 =	vld.idx.msk [tilespmem:v44+s26+$0x0], $0xffff;
	v25 =	vbroadcast v25, $0x7;
	v28 =	vadd.f32 v42, v28  }
0x1a0: {  	v23 =	vld.idx.msk [tilespmem:v23+s26+$0x0], $0xffff;
	v31 =	vmul.f32 v31, v52;
	v61 =	vmul.f32 v55, v50;
	(xrf2) =	vadd.scan.msk.f32 $0xffff, v29  }
0x1a1: {  	v38 =	vor.u32 v2, v30;
	v40 =	vor.u32 v40, v63;
	v57 =	vld.idx.msk [tilespmem:v45+s26+$0x0], $0xffff;
	(xrf2) =	vadd.scan.msk.f32 $0xffff, v28  }
0x1a2: {  	v39 =	vor.u32 v39, v25;
	v25 =	vor.u32 v38, v25;
	v29 =	vadd.f32 v31, v61;
	v31 =	vld.idx.msk [tilespmem:v51+s26+$0x0], $0xffff  }
0x1a3: {  	v24 =	vld.idx.msk [tilespmem:v24+s26+$0x0], $0xffff  }
0x1a4: {  	v55 =	vor.u32 v43, v63;
	v28 =	vld.idx.msk [tilespmem:v62+s26+$0x0], $0xffff  }
0x1a5: {  	v60 =	vor.u32 v17, v21;
	v22 =	vld.idx.msk [tilespmem:v22+s26+$0x0], $0xffff  }
0x1a6: {  	v21 =	vor.u32 v18, v21;
	v56 =	vmul.f32 v54, v49;
	v26 =	vmul.f32 v26, v48;
	v59 =	vld.idx.msk [tilespmem:v40+s26+$0x0], $0xffff  }
0x1a7: {  	v25 =	vld.idx.msk [tilespmem:v25+s26+$0x0], $0xffff;
	(xrf2) =	vadd.scan.msk.f32 $0xffff, v29  }
0x1a8: {  	v26 =	vadd.f32 v26, v56;
	v61 =	vld.idx.msk [tilespmem:v58+s26+$0x0], $0xffff;
	v31 =	vmul.f32 v31, v47;
	v24 =	vmul.f32 v24, v46  }
0x1a9: {  	v23 =	vmul.f32 v23, v44;
	v41 =	vld.idx.msk [tilespmem:v55+s26+$0x0], $0xffff;
	v28 =	vmul.f32 v28, v57  }
0x1aa: {  	v24 =	vadd.f32 v24, v31;
	v31 =	vld.idx.msk [tilespmem:v39+s26+$0x0], $0xffff;
	v29, _, _ =	vpop (xrf2);
	(xrf2) =	vadd.scan.msk.f32 $0xffff, v26  }
0x1ab: {  	s7 =	sshll.u32 s6, $0x3;
	v23 =	vadd.f32 v23, v28;
	v28 =	vld.idx.msk [tilespmem:v21+s26+$0x0], $0xffff;
	v21, _, _ =	vpop (xrf2)  }
0x1ac: {  	v27 =	vmov s7;
	v26 =	vld.idx.msk [tilespmem:v60+s26+$0x0], $0xffff;
	v62 =	vbroadcast v21, $0xF  }
0x1ad: {  	vm0 =	veq.s32 v27, v0;
	(xrf2) =	vadd.scan.msk.f32 $0xffff, v24  }
0x1ae: {  	v63 =	vmul.f32 v61, v41;
	v24 =	vmul.f32 v22, v59;
	v27 =	vadd.f32 v62, v20  }
0x1af: {  	s20 =	sor.u32 $0x1, s7;
	v29 =	vbroadcast v29, $0xF  }
0x1b0: {  	v37 =	vmov s20;
	(xrf2) =	vadd.scan.msk.f32 $0xffff, v23;
	v24 =	vadd.f32 v24, v63;
	v20 =	vsel vm0, v27, v20  }
0x1b1: {  	v25 =	vmul.f32 v28, v25;
	v23 =	vmul.f32 v26, v31;
	v26, _, _ =	vpop (xrf2);
	v27 =	vadd.f32 v29, v20  }
0x1b2: {  	vm0 =	veq.s32 v37, v0;
	v26 =	vbroadcast v26, $0xF  }
0x1b3: {  	s10 =	sor.u32 $0x2, s7;
	(xrf2) =	vadd.scan.msk.f32 $0xffff, v24;
	v20 =	vsel vm0, v27, v20;
	v27 =	vadd.f32 v25, v23  }
0x1b4: {  	v36 =	vmov s10;
	v24, _, _ =	vpop (xrf2);
	v25 =	vadd.f32 v26, v20  }
0x1b5: {  	vm0 =	veq.s32 v36, v0;
	v24 =	vbroadcast v24, $0xF;
	(xrf2) =	vadd.scan.msk.f32 $0xffff, v27  }
0x1b6: {  	s11 =	sor.u32 $0x3, s7;
	v20 =	vsel vm0, v25, v20  }
0x1b7: {  	v35 =	vmov s11;
	v23, _, _ =	vpop (xrf2);
	v25 =	vadd.f32 v24, v20  }
0x1b8: {  	vm0 =	veq.s32 v35, v0;
	v23 =	vbroadcast v23, $0xF  }
0x1b9: {  	s12 =	sor.u32 $0x4, s7;
	v20 =	vsel vm0, v25, v20  }
0x1ba: {  	s3 =	sadd.s32 $0x1, s3;
	v34 =	vmov s12;
	v24, _, _ =	vpop (xrf2);
	v25 =	vadd.f32 v23, v20  }
0x1bb: {  	p0 =	sne.s32 s3, $0x40;
	vm0 =	veq.s32 v34, v0;
	v24 =	vbroadcast v24, $0xF  }
.Ltmp0:
0x1bc: {  	s19 =	sor.u32 $0x5, s7;
	v20 =	vsel vm0, v25, v20;
	(pc) =	sbr.rel @p0 .LBB2_2-.Ltmp0, $4  }
0x1bd: {  	s30 =	sadd.s32 $0x8, s30;
	v33 =	vmov s19;
	s7 =	sor.u32 $0x6, s7;
	p1 =	seq.s32 s6, $0x0;
	v23, _, _ =	vpop (xrf2);
	v24 =	vadd.f32 v24, v20  }
0x1be: {  	s20 =	sshllo.u32 s6, $0x3;
	v32 =	vmov s7;
	s7 =	sand.u32 @!p1 $0x1F0, s30;
	v23 =	vbroadcast v23, $0xF;
	vm0 =	veq.s32 v33, v0  }
0x1bf: {  	v30 =	vmov s20;
	v22 =	vld @!p1 [tilespmem:s7+$0x18700];
	v20 =	vsel vm0, v24, v20;
	v25, _, _ =	vpop (xrf2)  }
0x1c0: {  	s28 =	sadd.s32 $0x8, s28;
	v21 =	vld @!p1 [tilespmem:s7+$0x18500];
	vm0 =	veq.s32 v32, v0;
	v24 =	vadd.f32 v23, v20;
	v23 =	vbroadcast v25, $0xF  }
0x1c1: {  	_ = 	snop  }
0x1c2: {  	v20 =	vsel vm0, v24, v20  }
0x1c3: {  	v23 =	vadd.f32 v23, v20  }
0x1c4: {  	vm15 =	veq.s32 v30, v0  }
0x1c5: {  	v20 =	vsel vm15, v23, v20  }
0x1c6: {  	v19 =	vadd.f32 @!p1 v20, v19;
	_ =	sdelay $0x1  }
0x1c7: {  	v19 =	vadd.f32 @!p1 v21, v19;
	_ =	sdelay $0x1  }
0x1c8: {  	s31 =	sadd.s32 $0x1, s31;
	v19 =	vadd.f32 @!p1 v22, v19  }
0x1c9: {  	p0 =	sne.s32 s31, s16  }
.Ltmp1:
0x1ca: {  	s0 =	simm.s32 $0x18980;
	[tilespmem:s7+$0x18980] =	vst @!p1 v19;
	(pc) =	sbr.rel @p0 .LBB2_1-.Ltmp1, $4  }
0x1cb: {  	[hbm4b:s15+s4] =	stream.linear.scatter [tilespmem:s0], [sflag:$0x3], $0x200, $0x38;
	[tilespmem:$0x18B80] =	vst v63  }
0x1cc: {  	_ =	swait.ge [sflag:s17], $0x200  }
0x1cd: {  	[sflag:s17] =	ssyncset.done $0x0  }
0x1ce: {  	[sflag:s17] =	ssyncadd.s32 $0xFFFFFE00  }
0x1cf: {  	_ =	sfence.sel $0x180000  }
0x1d0: {  	[bflag:$0x0] =	sbarrier.arrive $0xFFFF  }
0x1d1: {  	_ =	strace $0x90000047  }
0x1d2: {  	s0 =	stileid.u32;
	[bflag:$0x2] =	sbarrier.arrive $0xFFFF  }
0x1d3: {  	p0 =	sne.s32 s0, $0x0;
	s0 =	rddreg [dreg:$0x6]  }
0x1d4: {  	s0 =	sadd.s32 @!p0 $0x100000, s0  }
0x1d5: {  	[sflag:s0] =	ssyncadd.tile.s32 @!p0 $0x1;
	_ =	shalt  }
.Lfunc_end2:
_tile_overlayer_lowered:
.L_overlay_start_2:
0x1d6: {  	(tag) =	ssettag $0x2  }
0x1d7: {  	s0 =	rddreg [dreg:$0x0];
	s2 =	stileid.u32  }
0x1d8: {  	s1 =	rddreg [dreg:$0x1];
	p0 =	sne.s32 s2, $0x0  }
0x1d9: {  	s3 =	rddreg [dreg:$0x2];
	[bflag:$0x3] =	sbarrier.arrive $0xFFFF;
	s2 =	simm.s32 @!p0 $0x1C03  }
0x1da: {  	[timem:s3], [sflag:s2] =	dma.local @!p0 [hbm:s0], s1  }
0x1db: {  	s0 =	simm.s32 @!p0 $0x3  }
0x1dc: {  	_ =	swait.ge @!p0 [sflag:s0], s1  }
0x1dd: {  	s1 =	ssub.s32 @!p0 $0x0, s1;
	[sflag:s0] =	ssyncset.done @!p0 $0x0  }
0x1de: {  	[sflag:s0] =	ssyncadd.s32 @!p0 s1  }
0x1df: {  	[bflag:$0x3] =	sbarrier.arrive $0xFFFF  }
0x1e0: {  	_ =	shalt  }

</sc_bundles>
